<compile_context>
chip_gen: v7x
topology: tpu7x:2x2x1
jax: 0.10.2.dev20260603
libtpu: 0.0.44.dev20260713+nightly
codegen_flags: <defaults>
</compile_context>

<pallas_src>
import functools

import jax
import jax.numpy as jnp
from jax import lax
from jax.experimental import pallas as pl
from jax.experimental.pallas import tpu as pltpu
from jax.experimental.pallas import tpu_sc as plsc

N, E, DF, DE, DO = 10000, 320000, 128, 16, 128
DC = DO + 16
NC, NS = 2, 16
NW = NC * NS
EPW = E // NW
BK = 80
NB = EPW // BK
RPT = N // NS


def _node_dense_body(x_ref, w1_ref, b1_ref, w2_ref, b2_ref, w4_ref, w5_ref,
                     b5_ref, A_ref, B_ref, C_ref, a_ref, bv_ref):
    x = x_ref[...]
    A = jnp.dot(x, w1_ref[...], preferred_element_type=jnp.float32) + b1_ref[...]
    B = jnp.dot(x, w2_ref[...], preferred_element_type=jnp.float32) + b2_ref[...]
    C = jnp.dot(x, w5_ref[...], preferred_element_type=jnp.float32) + b5_ref[...]
    A_ref[...] = A
    B_ref[...] = B
    C_ref[...] = C
    w4 = w4_ref[...]
    a_ref[...] = jnp.dot(A, w4, preferred_element_type=jnp.float32)
    bv_ref[...] = jnp.dot(B, w4, preferred_element_type=jnp.float32)


def _edge_dense_body(e_ref, w3_ref, b3_ref, w4_ref, b4_ref, EF0_ref, e0_ref):
    ew = e_ref[...]
    EF0 = jnp.dot(ew, w3_ref[...], preferred_element_type=jnp.float32) + b3_ref[...]
    EF0_ref[...] = EF0
    w34 = jnp.dot(w3_ref[...], w4_ref[...], preferred_element_type=jnp.float32)
    c34 = jnp.dot(b3_ref[...], w4_ref[...], preferred_element_type=jnp.float32)
    e0_ref[...] = (jnp.dot(ew, w34, preferred_element_type=jnp.float32)
                   + c34 + b4_ref[...])


def _combine_body(p0_ref, p1_ref, out_ref):
    acc = p0_ref[...] + p1_ref[...]
    num = acc[:, :DO]
    den = acc[:, DO:DO + 1]
    out_ref[...] = jnp.where(den > 0.0, num / den, 0.0)


def _sc_body(s3, r3, e3, a_hbm, b_hbm, A_hbm, B_hbm, Cw_hbm, EF0_hbm,
             ef_out, num_out,
             s_v, r_v, e_v, av, bv, ex_v, bufE, bufC, acc, sem1, sem2,
             semC, semE):
    cid = lax.axis_index("c")
    sid = lax.axis_index("s")
    wid = cid * NS + sid

    def _zrow(i, _):
        for q in range(DC // 16):
            bufC[i, pl.ds(q * 16, 16)] = jnp.zeros((16,), jnp.float32)
        return 0
    lax.fori_loop(0, BK, _zrow, 0)
    for t in range(RPT // BK):
        pltpu.sync_copy(bufC, acc.at[pl.ds(sid * RPT + t * BK, BK)])
    rem = RPT - (RPT // BK) * BK
    if rem:
        pltpu.sync_copy(bufC.at[pl.ds(0, rem)],
                        acc.at[pl.ds(sid * RPT + (RPT // BK) * BK, rem)])
    plsc.subcore_barrier()

    def issue1(n, slot):
        g = wid * EPW + n * BK
        pltpu.async_copy(s3.at[wid, n], s_v.at[slot], sem1.at[slot])
        pltpu.async_copy(r3.at[wid, n], r_v.at[slot], sem1.at[slot])
        pltpu.async_copy(e3.at[wid, n], e_v.at[slot], sem1.at[slot])
        pltpu.async_copy(EF0_hbm.at[pl.ds(g, BK)], bufE.at[slot],
                         sem1.at[slot])

    def wait1(n, slot):
        g = wid * EPW + n * BK
        pltpu.make_async_copy(s3.at[wid, n], s_v.at[slot],
                              sem1.at[slot]).wait()
        pltpu.make_async_copy(r3.at[wid, n], r_v.at[slot],
                              sem1.at[slot]).wait()
        pltpu.make_async_copy(e3.at[wid, n], e_v.at[slot],
                              sem1.at[slot]).wait()
        pltpu.make_async_copy(EF0_hbm.at[pl.ds(g, BK)], bufE.at[slot],
                              sem1.at[slot]).wait()

    issue1(0, 0)

    def _batch(b, _):
        S = b % 2
        issue1(jnp.minimum(b + 1, NB - 1), (b + 1) % 2)
        wait1(b, S)

        sv = s_v.at[S]
        rv = r_v.at[S]
        be = bufE.at[S]
        pltpu.async_copy(a_hbm.at[sv], av, sem2)
        pltpu.async_copy(b_hbm.at[rv], bv, sem2)
        pltpu.async_copy(Cw_hbm.at[sv], bufC, semC)
        pltpu.async_copy(A_hbm.at[sv], be, semE, add=True)
        pltpu.async_copy(B_hbm.at[rv], be, semE, add=True)
        pltpu.make_async_copy(a_hbm.at[sv], av, sem2).wait()
        pltpu.make_async_copy(b_hbm.at[rv], bv, sem2).wait()

        ev = e_v.at[S]
        for q in range(BK // 16):
            sl = pl.ds(q * 16, 16)
            att = ev[sl] + av[sl] + bv[sl]
            att = jnp.where(att >= 0.0, att, 0.01 * att)
            ex_v[sl] = jnp.exp(att)

        pltpu.make_async_copy(Cw_hbm.at[sv], bufC, semC).wait()

        def _scale(e, _):
            exb = plsc.load_gather(ex_v, [jnp.full((16,), e, jnp.int32)])
            for q in range(DC // 16):
                sl = pl.ds(q * 16, 16)
                bufC[e, sl] = bufC[e, sl] * exb
            return 0
        lax.fori_loop(0, BK, _scale, 0)

        pltpu.make_async_copy(A_hbm.at[sv], be, semE).wait()
        pltpu.make_async_copy(B_hbm.at[rv], be, semE).wait()
        g = wid * EPW + b * BK
        pltpu.async_copy(be, ef_out.at[pl.ds(g, BK)], semE)
        pltpu.sync_copy(bufC, acc.at[rv], add=True)
        pltpu.make_async_copy(be, ef_out.at[pl.ds(g, BK)], semE).wait()
        return 0

    lax.fori_loop(0, NB, _batch, 0)
    wait1(NB - 1, NB % 2)
    plsc.subcore_barrier()

    pltpu.sync_copy(acc.at[pl.ds(sid * RPT, RPT)],
                    num_out.at[pl.ds(cid * N + sid * RPT, RPT)])


def _node_dense(nodes, W1, b1, W2, b2, W4, W5, b5):
    blk = 2000
    grid = (N // blk,)
    full = lambda shape: pl.BlockSpec(shape, lambda i: (0, 0))
    return pl.pallas_call(
        _node_dense_body,
        grid=grid,
        in_specs=[
            pl.BlockSpec((blk, DF), lambda i: (i, 0)),
            full((DF, DO)), full((1, DO)),
            full((DF, DO)), full((1, DO)),
            full((DO, 1)),
            full((DF, DO)), full((1, DO)),
        ],
        out_specs=[
            pl.BlockSpec((blk, DO), lambda i: (i, 0)),
            pl.BlockSpec((blk, DO), lambda i: (i, 0)),
            pl.BlockSpec((blk, DO), lambda i: (i, 0)),
            pl.BlockSpec((blk, 1), lambda i: (i, 0)),
            pl.BlockSpec((blk, 1), lambda i: (i, 0)),
        ],
        out_shape=[
            jax.ShapeDtypeStruct((N, DO), jnp.float32),
            jax.ShapeDtypeStruct((N, DO), jnp.float32),
            jax.ShapeDtypeStruct((N, DO), jnp.float32),
            jax.ShapeDtypeStruct((N, 1), jnp.float32),
            jax.ShapeDtypeStruct((N, 1), jnp.float32),
        ],
    )(nodes, W1, b1.reshape(1, DO), W2, b2.reshape(1, DO), W4, W5,
      b5.reshape(1, DO))


def _edge_dense(edges, W3, b3, W4, b4):
    blk = 3200
    grid = (E // blk,)
    full = lambda shape: pl.BlockSpec(shape, lambda i: (0, 0))
    return pl.pallas_call(
        _edge_dense_body,
        grid=grid,
        in_specs=[
            pl.BlockSpec((blk, DE), lambda i: (i, 0)),
            full((DE, DO)), full((1, DO)),
            full((DO, 1)), full((1, 1)),
        ],
        out_specs=[
            pl.BlockSpec((blk, DO), lambda i: (i, 0)),
            pl.BlockSpec((blk, 1), lambda i: (i, 0)),
        ],
        out_shape=[
            jax.ShapeDtypeStruct((E, DO), jnp.float32),
            jax.ShapeDtypeStruct((E, 1), jnp.float32),
        ],
    )(edges, W3, b3.reshape(1, DO), W4, b4.reshape(1, 1))


def _combine(num_flat):
    blk = 2000
    grid = (N // blk,)
    return pl.pallas_call(
        _combine_body,
        grid=grid,
        in_specs=[
            pl.BlockSpec((blk, DC), lambda i: (i, 0)),
            pl.BlockSpec((blk, DC), lambda i: (i + N // blk, 0)),
        ],
        out_specs=pl.BlockSpec((blk, DO), lambda i: (i, 0)),
        out_shape=jax.ShapeDtypeStruct((N, DO), jnp.float32),
    )(num_flat, num_flat)


@functools.cache
def _get_sc_edges():
    return pl.kernel(
        _sc_body,
        out_type=[
            jax.ShapeDtypeStruct((E, DO), jnp.float32),
            jax.ShapeDtypeStruct((NC * N, DC), jnp.float32),
        ],
        mesh=plsc.VectorSubcoreMesh(core_axis_name="c", subcore_axis_name="s"),
        scratch_types=[
            pltpu.VMEM((2, BK), jnp.int32),
            pltpu.VMEM((2, BK), jnp.int32),
            pltpu.VMEM((2, BK), jnp.float32),
            pltpu.VMEM((BK,), jnp.float32),
            pltpu.VMEM((BK,), jnp.float32),
            pltpu.VMEM((BK,), jnp.float32),
            pltpu.VMEM((2, BK, DO), jnp.float32),
            pltpu.VMEM((BK, DC), jnp.float32),
            pltpu.VMEM_SHARED((N, DC), jnp.float32),
            pltpu.SemaphoreType.DMA((2,)),
            pltpu.SemaphoreType.DMA,
            pltpu.SemaphoreType.DMA,
            pltpu.SemaphoreType.DMA,
        ],
        compiler_params=pltpu.CompilerParams(use_tc_tiling_on_sc=False,
                                             needs_layout_passes=False),
    )


def kernel(nodes, edges, senders, receivers, W1, b1, W2, b2, W3, b3, W4, b4,
           W5, b5):
    A, B, C, a, bv = _node_dense(nodes, W1, b1, W2, b2, W4, W5, b5)
    EF0, e0 = _edge_dense(edges, W3, b3, W4, b4)

    Cw = jnp.concatenate(
        [C, jnp.ones((N, 1), jnp.float32), jnp.zeros((N, DC - DO - 1),
                                                     jnp.float32)], axis=1)

    s3 = senders.reshape(NW, NB, BK)
    r3 = receivers.reshape(NW, NB, BK)
    e3 = e0.reshape(NW, NB, BK)

    ef, num_flat = _get_sc_edges()(s3, r3, e3, a.reshape(N), bv.reshape(N),
                                   A, B, Cw, EF0)
    new_nodes = _combine(num_flat)
    return new_nodes, ef

# --- scband reference (transcript-rebuilt; emitter-appended) ---
"""Pipeline reference for scband-gateau-21036749816021 (READ-ONLY COPY).

The authoritative reference and input builder live on the scoring server;
editing this copy changes nothing except your own understanding.
"""

import jax, jax.numpy as jnp
import numpy as np

N, E, DF, DE, DO = 10000, 320000, 128, 16, 128

def _dense_w(k, i, o):
    return (jax.random.normal(k, (i, o)) * (1.0 / np.sqrt(i))).astype(jnp.float32)

def setup_inputs(seed: int = 0):
    key = jax.random.key(seed)
    ks = jax.random.split(key, 10)
    nodes = jax.random.normal(ks[0], (N, DF), dtype=jnp.float32)
    edges = jax.random.normal(ks[1], (E, DE), dtype=jnp.float32)
    senders = jax.random.randint(ks[2], (E,), 0, N, dtype=jnp.int32)
    receivers = jax.random.randint(ks[3], (E,), 0, N, dtype=jnp.int32)
    W1 = _dense_w(ks[4], DF, DO); b1 = jnp.zeros((DO,), jnp.float32)
    W2 = _dense_w(ks[5], DF, DO); b2 = jnp.zeros((DO,), jnp.float32)
    W3 = _dense_w(ks[6], DE, DO); b3 = jnp.zeros((DO,), jnp.float32)
    W4 = _dense_w(ks[7], DO, 1);  b4 = jnp.zeros((1,), jnp.float32)
    W5 = _dense_w(ks[8], DF, DO); b5 = jnp.zeros((DO,), jnp.float32)
    return {"nodes": nodes, "edges": edges, "senders": senders, "receivers": receivers,
            "W1": W1, "b1": b1, "W2": W2, "b2": b2, "W3": W3, "b3": b3,
            "W4": W4, "b4": b4, "W5": W5, "b5": b5}

def reference(nodes, edges, senders, receivers, W1, b1, W2, b2, W3, b3, W4, b4, W5, b5):
    n = nodes.shape[0]
    # defaults: simple_update=True -> sync_updates=False; add_features=True; mix_edge_node=False; self_edges=False
    sent_attributes_1 = (nodes @ W1 + b1)[senders]
    sent_attributes_2 = nodes[senders]
    received_attributes = (nodes @ W2 + b2)[receivers]
    edge_features = edges @ W3 + b3
    edge_features = sent_attributes_1 + edge_features + received_attributes
    attention_coeffs = edge_features @ W4 + b4  # [E, 1]
    attention_coeffs = jax.nn.leaky_relu(attention_coeffs)
    # jraph.segment_softmax over receivers
    seg_max = jax.ops.segment_max(attention_coeffs, receivers, num_segments=n)
    shifted = attention_coeffs - seg_max[receivers]
    ex = jnp.exp(shifted)
    denom = jax.ops.segment_sum(ex, receivers, num_segments=n)
    attention_weights = ex / denom[receivers]
    # mix_edge_node=False -> message = sent_attributes_2; simple_update -> Dense
    message = sent_attributes_2 @ W5 + b5
    message = attention_weights * message
    new_nodes = jax.ops.segment_sum(message, receivers, num_segments=n)
    return new_nodes, edge_features

if __name__ == "__main__":
    import jax
    _d = setup_inputs()
    print(jax.jit(kernel)(*tuple(_d.values())))

</pallas_src>

<mosaic_0001>
#map = affine_map<(d0, d1) -> (0, 0, 0)>
#map1 = affine_map<(d0, d1) -> (0)>
#map2 = affine_map<(d0, d1) -> (0, 0)>
module attributes {stable_mosaic.version = 14 : i64} {
  func.func @_sc_body(%arg0: i32, %arg1: i32, %arg2: memref<32x125x80xi32, #tpu.memory_space<hbm>>, %arg3: memref<32x125x80xi32, #tpu.memory_space<hbm>>, %arg4: memref<32x125x80xf32, #tpu.memory_space<hbm>>, %arg5: memref<10000xf32, #tpu.memory_space<hbm>>, %arg6: memref<10000xf32, #tpu.memory_space<hbm>>, %arg7: memref<10000x128xf32, #tpu.memory_space<hbm>>, %arg8: memref<10000x128xf32, #tpu.memory_space<hbm>>, %arg9: memref<10000x144xf32, #tpu.memory_space<hbm>>, %arg10: memref<320000x128xf32, #tpu.memory_space<hbm>>, %arg11: memref<320000x128xf32, #tpu.memory_space<hbm>>, %arg12: memref<20000x144xf32, #tpu.memory_space<hbm>>, %arg13: memref<2x80xi32, #tpu.memory_space<vmem>>, %arg14: memref<2x80xi32, #tpu.memory_space<vmem>>, %arg15: memref<2x80xf32, #tpu.memory_space<vmem>>, %arg16: memref<80xf32, #tpu.memory_space<vmem>>, %arg17: memref<80xf32, #tpu.memory_space<vmem>>, %arg18: memref<80xf32, #tpu.memory_space<vmem>>, %arg19: memref<2x80x128xf32, #tpu.memory_space<vmem>>, %arg20: memref<80x144xf32, #tpu.memory_space<vmem>>, %arg21: memref<10000x144xf32, #tpu.memory_space<vmem_shared>>, %arg22: memref<2x!tpu.dma_semaphore, #tpu.memory_space<semaphore_mem>>, %arg23: memref<!tpu.dma_semaphore, #tpu.memory_space<semaphore_mem>>, %arg24: memref<!tpu.dma_semaphore, #tpu.memory_space<semaphore_mem>>, %arg25: memref<!tpu.dma_semaphore, #tpu.memory_space<semaphore_mem>>) attributes {dimension_semantics = [#tpu.dimension_semantics<core_parallel>, #tpu.dimension_semantics<subcore_parallel>], iteration_bounds = array<i64: 2, 16>, scalar_prefetch = 0 : i64, scratch_operands = 13 : i64, tpu.core_type = #tpu.core_type<sc_vector_subcore>, window_params = [{transform_indices = #map}, {transform_indices = #map}, {transform_indices = #map}, {transform_indices = #map1}, {transform_indices = #map1}, {transform_indices = #map2}, {transform_indices = #map2}, {transform_indices = #map2}, {transform_indices = #map2}, {transform_indices = #map2}, {transform_indices = #map2}]} {
    %mul3A = arith.constant 16 : i32
    %mul3A_0 = arith.muli %arg0, %mul3A : i32
    %add3A = arith.addi %mul3A_0, %arg1 : i32
    %scan3A = arith.constant 0 : i32
    %scan3A_1 = arith.constant 0 : i32
    %scan3A_2 = arith.constant 80 : i32
    %scan3A_3 = arith.addi %scan3A_1, %scan3A_2 : i32
    %scan3A_4 = arith.constant 1 : i32
    %scan3A_5 = scf.for %scan3A_194 = %scan3A_1 to %scan3A_3 step %scan3A_4 iter_args(%scan3A_195 = %scan3A) -> (i32)  : i32 {
      %broadcast_in_dim3A = arith.constant 0.000000e+00 : f32
      %broadcast_in_dim3A_196 = vector.broadcast %broadcast_in_dim3A : f32 to vector<16xf32>
      %swap3A = arith.index_cast %scan3A_194 : i32 to index
      %swap3A_197 = arith.constant 0 : index
      %swap3A_198 = tpu.vector_load %arg20[%swap3A, %swap3A_197] {strides = array<i32>} : memref<80x144xf32, #tpu.memory_space<vmem>>, vector<16xf32>,
      tpu.vector_store %arg20[%swap3A, %swap3A_197], %broadcast_in_dim3A_196 {strides = array<i32>} : memref<80x144xf32, #tpu.memory_space<vmem>>, vector<16xf32>,
      %broadcast_in_dim3A_199 = arith.constant 0.000000e+00 : f32
      %broadcast_in_dim3A_200 = vector.broadcast %broadcast_in_dim3A_199 : f32 to vector<16xf32>
      %swap3A_201 = arith.index_cast %scan3A_194 : i32 to index
      %swap3A_202 = arith.constant 16 : index
      %swap3A_203 = tpu.vector_load %arg20[%swap3A_201, %swap3A_202] {strides = array<i32>} : memref<80x144xf32, #tpu.memory_space<vmem>>, vector<16xf32>,
      tpu.vector_store %arg20[%swap3A_201, %swap3A_202], %broadcast_in_dim3A_200 {strides = array<i32>} : memref<80x144xf32, #tpu.memory_space<vmem>>, vector<16xf32>,
      %broadcast_in_dim3A_204 = arith.constant 0.000000e+00 : f32
      %broadcast_in_dim3A_205 = vector.broadcast %broadcast_in_dim3A_204 : f32 to vector<16xf32>
      %swap3A_206 = arith.index_cast %scan3A_194 : i32 to index
      %swap3A_207 = arith.constant 32 : index
      %swap3A_208 = tpu.vector_load %arg20[%swap3A_206, %swap3A_207] {strides = array<i32>} : memref<80x144xf32, #tpu.memory_space<vmem>>, vector<16xf32>,
      tpu.vector_store %arg20[%swap3A_206, %swap3A_207], %broadcast_in_dim3A_205 {strides = array<i32>} : memref<80x144xf32, #tpu.memory_space<vmem>>, vector<16xf32>,
      %broadcast_in_dim3A_209 = arith.constant 0.000000e+00 : f32
      %broadcast_in_dim3A_210 = vector.broadcast %broadcast_in_dim3A_209 : f32 to vector<16xf32>
      %swap3A_211 = arith.index_cast %scan3A_194 : i32 to index
      %swap3A_212 = arith.constant 48 : index
      %swap3A_213 = tpu.vector_load %arg20[%swap3A_211, %swap3A_212] {strides = array<i32>} : memref<80x144xf32, #tpu.memory_space<vmem>>, vector<16xf32>,
      tpu.vector_store %arg20[%swap3A_211, %swap3A_212], %broadcast_in_dim3A_210 {strides = array<i32>} : memref<80x144xf32, #tpu.memory_space<vmem>>, vector<16xf32>,
      %broadcast_in_dim3A_214 = arith.constant 0.000000e+00 : f32
      %broadcast_in_dim3A_215 = vector.broadcast %broadcast_in_dim3A_214 : f32 to vector<16xf32>
      %swap3A_216 = arith.index_cast %scan3A_194 : i32 to index
      %swap3A_217 = arith.constant 64 : index
      %swap3A_218 = tpu.vector_load %arg20[%swap3A_216, %swap3A_217] {strides = array<i32>} : memref<80x144xf32, #tpu.memory_space<vmem>>, vector<16xf32>,
      tpu.vector_store %arg20[%swap3A_216, %swap3A_217], %broadcast_in_dim3A_215 {strides = array<i32>} : memref<80x144xf32, #tpu.memory_space<vmem>>, vector<16xf32>,
      %broadcast_in_dim3A_219 = arith.constant 0.000000e+00 : f32
      %broadcast_in_dim3A_220 = vector.broadcast %broadcast_in_dim3A_219 : f32 to vector<16xf32>
      %swap3A_221 = arith.index_cast %scan3A_194 : i32 to index
      %swap3A_222 = arith.constant 80 : index
      %swap3A_223 = tpu.vector_load %arg20[%swap3A_221, %swap3A_222] {strides = array<i32>} : memref<80x144xf32, #tpu.memory_space<vmem>>, vector<16xf32>,
      tpu.vector_store %arg20[%swap3A_221, %swap3A_222], %broadcast_in_dim3A_220 {strides = array<i32>} : memref<80x144xf32, #tpu.memory_space<vmem>>, vector<16xf32>,
      %broadcast_in_dim3A_224 = arith.constant 0.000000e+00 : f32
      %broadcast_in_dim3A_225 = vector.broadcast %broadcast_in_dim3A_224 : f32 to vector<16xf32>
      %swap3A_226 = arith.index_cast %scan3A_194 : i32 to index
      %swap3A_227 = arith.constant 96 : index
      %swap3A_228 = tpu.vector_load %arg20[%swap3A_226, %swap3A_227] {strides = array<i32>} : memref<80x144xf32, #tpu.memory_space<vmem>>, vector<16xf32>,
      tpu.vector_store %arg20[%swap3A_226, %swap3A_227], %broadcast_in_dim3A_225 {strides = array<i32>} : memref<80x144xf32, #tpu.memory_space<vmem>>, vector<16xf32>,
      %broadcast_in_dim3A_229 = arith.constant 0.000000e+00 : f32
      %broadcast_in_dim3A_230 = vector.broadcast %broadcast_in_dim3A_229 : f32 to vector<16xf32>
      %swap3A_231 = arith.index_cast %scan3A_194 : i32 to index
      %swap3A_232 = arith.constant 112 : index
      %swap3A_233 = tpu.vector_load %arg20[%swap3A_231, %swap3A_232] {strides = array<i32>} : memref<80x144xf32, #tpu.memory_space<vmem>>, vector<16xf32>,
      tpu.vector_store %arg20[%swap3A_231, %swap3A_232], %broadcast_in_dim3A_230 {strides = array<i32>} : memref<80x144xf32, #tpu.memory_space<vmem>>, vector<16xf32>,
      %broadcast_in_dim3A_234 = arith.constant 0.000000e+00 : f32
      %broadcast_in_dim3A_235 = vector.broadcast %broadcast_in_dim3A_234 : f32 to vector<16xf32>
      %swap3A_236 = arith.index_cast %scan3A_194 : i32 to index
      %swap3A_237 = arith.constant 128 : index
      %swap3A_238 = tpu.vector_load %arg20[%swap3A_236, %swap3A_237] {strides = array<i32>} : memref<80x144xf32, #tpu.memory_space<vmem>>, vector<16xf32>,
      tpu.vector_store %arg20[%swap3A_236, %swap3A_237], %broadcast_in_dim3A_235 {strides = array<i32>} : memref<80x144xf32, #tpu.memory_space<vmem>>, vector<16xf32>,
      %scan3A_239 = arith.constant 0 : i32
      scf.yield %scan3A_239 : i32
    }
    %scan3A_6 = arith.constant 80 : i32
    %mul3A_7 = arith.constant 625 : i32
    %mul3A_8 = arith.muli %arg1, %mul3A_7 : i32
    %add3A_9 = arith.constant 0 : i32
    %add3A_10 = arith.addi %mul3A_8, %add3A_9 : i32
    "tpu.region"() ({
      %run_scoped3A = tpu.sem_alloc : memref<!tpu.dma_semaphore, #tpu.memory_space<semaphore_mem>>
      %dma_start3A_194 = arith.constant 0 : i32
      %dma_start3A_195 = tpu.memref_slice %arg21[%add3A_10, %dma_start3A_194] : memref<10000x144xf32, #tpu.memory_space<vmem_shared>> -> memref<80x144xf32, #tpu.memory_space<vmem_shared>>
      %dma_start3A_196 = arith.constant 0 : i32
      %dma_start3A_197 = tpu.memref_slice %arg21[%add3A_10, %dma_start3A_196] : memref<10000x144xf32, #tpu.memory_space<vmem_shared>> -> memref<80x144xf32, #tpu.memory_space<vmem_shared>>
      tpu.enqueue_dma source(%arg20 : memref<80x144xf32, #tpu.memory_space<vmem>>) target(%dma_start3A_197 : memref<80x144xf32, #tpu.memory_space<vmem_shared>>) target_semaphore(%run_scoped3A : memref<!tpu.dma_semaphore, #tpu.memory_space<semaphore_mem>>)
      %dma_wait3A_198 = arith.constant 0 : i32
      %dma_wait3A_199 = tpu.memref_slice %arg21[%add3A_10, %dma_wait3A_198] : memref<10000x144xf32, #tpu.memory_space<vmem_shared>> -> memref<80x144xf32, #tpu.memory_space<vmem_shared>>
      %dma_wait3A_200 = arith.constant 0 : i32
      %dma_wait3A_201 = tpu.memref_slice %arg21[%add3A_10, %dma_wait3A_200] : memref<10000x144xf32, #tpu.memory_space<vmem_shared>> -> memref<80x144xf32, #tpu.memory_space<vmem_shared>>
      tpu.wait_dma2 semaphore(%run_scoped3A : memref<!tpu.dma_semaphore, #tpu.memory_space<semaphore_mem>>) src(%arg20 : memref<80x144xf32, #tpu.memory_space<vmem>>) dst(%dma_wait3A_201 : memref<80x144xf32, #tpu.memory_space<vmem_shared>>)
      tpu.yield
    }) : () -> ()
    %mul3A_11 = arith.constant 625 : i32
    %mul3A_12 = arith.muli %arg1, %mul3A_11 : i32
    %add3A_13 = arith.constant 80 : i32
    %add3A_14 = arith.addi %mul3A_12, %add3A_13 : i32
    "tpu.region"() ({
      %run_scoped3A = tpu.sem_alloc : memref<!tpu.dma_semaphore, #tpu.memory_space<semaphore_mem>>
      %dma_start3A_194 = arith.constant 0 : i32
      %dma_start3A_195 = tpu.memref_slice %arg21[%add3A_14, %dma_start3A_194] : memref<10000x144xf32, #tpu.memory_space<vmem_shared>> -> memref<80x144xf32, #tpu.memory_space<vmem_shared>>
      %dma_start3A_196 = arith.constant 0 : i32
      %dma_start3A_197 = tpu.memref_slice %arg21[%add3A_14, %dma_start3A_196] : memref<10000x144xf32, #tpu.memory_space<vmem_shared>> -> memref<80x144xf32, #tpu.memory_space<vmem_shared>>
      tpu.enqueue_dma source(%arg20 : memref<80x144xf32, #tpu.memory_space<vmem>>) target(%dma_start3A_197 : memref<80x144xf32, #tpu.memory_space<vmem_shared>>) target_semaphore(%run_scoped3A : memref<!tpu.dma_semaphore, #tpu.memory_space<semaphore_mem>>)
      %dma_wait3A_198 = arith.constant 0 : i32
      %dma_wait3A_199 = tpu.memref_slice %arg21[%add3A_14, %dma_wait3A_198] : memref<10000x144xf32, #tpu.memory_space<vmem_shared>> -> memref<80x144xf32, #tpu.memory_space<vmem_shared>>
      %dma_wait3A_200 = arith.constant 0 : i32
      %dma_wait3A_201 = tpu.memref_slice %arg21[%add3A_14, %dma_wait3A_200] : memref<10000x144xf32, #tpu.memory_space<vmem_shared>> -> memref<80x144xf32, #tpu.memory_space<vmem_shared>>
      tpu.wait_dma2 semaphore(%run_scoped3A : memref<!tpu.dma_semaphore, #tpu.memory_space<semaphore_mem>>) src(%arg20 : memref<80x144xf32, #tpu.memory_space<vmem>>) dst(%dma_wait3A_201 : memref<80x144xf32, #tpu.memory_space<vmem_shared>>)
      tpu.yield
    }) : () -> ()
    %mul3A_15 = arith.constant 625 : i32
    %mul3A_16 = arith.muli %arg1, %mul3A_15 : i32
    %add3A_17 = arith.constant 160 : i32
    %add3A_18 = arith.addi %mul3A_16, %add3A_17 : i32
    "tpu.region"() ({
      %run_scoped3A = tpu.sem_alloc : memref<!tpu.dma_semaphore, #tpu.memory_space<semaphore_mem>>
      %dma_start3A_194 = arith.constant 0 : i32
      %dma_start3A_195 = tpu.memref_slice %arg21[%add3A_18, %dma_start3A_194] : memref<10000x144xf32, #tpu.memory_space<vmem_shared>> -> memref<80x144xf32, #tpu.memory_space<vmem_shared>>
      %dma_start3A_196 = arith.constant 0 : i32
      %dma_start3A_197 = tpu.memref_slice %arg21[%add3A_18, %dma_start3A_196] : memref<10000x144xf32, #tpu.memory_space<vmem_shared>> -> memref<80x144xf32, #tpu.memory_space<vmem_shared>>
      tpu.enqueue_dma source(%arg20 : memref<80x144xf32, #tpu.memory_space<vmem>>) target(%dma_start3A_197 : memref<80x144xf32, #tpu.memory_space<vmem_shared>>) target_semaphore(%run_scoped3A : memref<!tpu.dma_semaphore, #tpu.memory_space<semaphore_mem>>)
      %dma_wait3A_198 = arith.constant 0 : i32
      %dma_wait3A_199 = tpu.memref_slice %arg21[%add3A_18, %dma_wait3A_198] : memref<10000x144xf32, #tpu.memory_space<vmem_shared>> -> memref<80x144xf32, #tpu.memory_space<vmem_shared>>
      %dma_wait3A_200 = arith.constant 0 : i32
      %dma_wait3A_201 = tpu.memref_slice %arg21[%add3A_18, %dma_wait3A_200] : memref<10000x144xf32, #tpu.memory_space<vmem_shared>> -> memref<80x144xf32, #tpu.memory_space<vmem_shared>>
      tpu.wait_dma2 semaphore(%run_scoped3A : memref<!tpu.dma_semaphore, #tpu.memory_space<semaphore_mem>>) src(%arg20 : memref<80x144xf32, #tpu.memory_space<vmem>>) dst(%dma_wait3A_201 : memref<80x144xf32, #tpu.memory_space<vmem_shared>>)
      tpu.yield
    }) : () -> ()
    %mul3A_19 = arith.constant 625 : i32
    %mul3A_20 = arith.muli %arg1, %mul3A_19 : i32
    %add3A_21 = arith.constant 240 : i32
    %add3A_22 = arith.addi %mul3A_20, %add3A_21 : i32
    "tpu.region"() ({
      %run_scoped3A = tpu.sem_alloc : memref<!tpu.dma_semaphore, #tpu.memory_space<semaphore_mem>>
      %dma_start3A_194 = arith.constant 0 : i32
      %dma_start3A_195 = tpu.memref_slice %arg21[%add3A_22, %dma_start3A_194] : memref<10000x144xf32, #tpu.memory_space<vmem_shared>> -> memref<80x144xf32, #tpu.memory_space<vmem_shared>>
      %dma_start3A_196 = arith.constant 0 : i32
      %dma_start3A_197 = tpu.memref_slice %arg21[%add3A_22, %dma_start3A_196] : memref<10000x144xf32, #tpu.memory_space<vmem_shared>> -> memref<80x144xf32, #tpu.memory_space<vmem_shared>>
      tpu.enqueue_dma source(%arg20 : memref<80x144xf32, #tpu.memory_space<vmem>>) target(%dma_start3A_197 : memref<80x144xf32, #tpu.memory_space<vmem_shared>>) target_semaphore(%run_scoped3A : memref<!tpu.dma_semaphore, #tpu.memory_space<semaphore_mem>>)
      %dma_wait3A_198 = arith.constant 0 : i32
      %dma_wait3A_199 = tpu.memref_slice %arg21[%add3A_22, %dma_wait3A_198] : memref<10000x144xf32, #tpu.memory_space<vmem_shared>> -> memref<80x144xf32, #tpu.memory_space<vmem_shared>>
      %dma_wait3A_200 = arith.constant 0 : i32
      %dma_wait3A_201 = tpu.memref_slice %arg21[%add3A_22, %dma_wait3A_200] : memref<10000x144xf32, #tpu.memory_space<vmem_shared>> -> memref<80x144xf32, #tpu.memory_space<vmem_shared>>
      tpu.wait_dma2 semaphore(%run_scoped3A : memref<!tpu.dma_semaphore, #tpu.memory_space<semaphore_mem>>) src(%arg20 : memref<80x144xf32, #tpu.memory_space<vmem>>) dst(%dma_wait3A_201 : memref<80x144xf32, #tpu.memory_space<vmem_shared>>)
      tpu.yield
    }) : () -> ()
    %mul3A_23 = arith.constant 625 : i32
    %mul3A_24 = arith.muli %arg1, %mul3A_23 : i32
    %add3A_25 = arith.constant 320 : i32
    %add3A_26 = arith.addi %mul3A_24, %add3A_25 : i32
    "tpu.region"() ({
      %run_scoped3A = tpu.sem_alloc : memref<!tpu.dma_semaphore, #tpu.memory_space<semaphore_mem>>
      %dma_start3A_194 = arith.constant 0 : i32
      %dma_start3A_195 = tpu.memref_slice %arg21[%add3A_26, %dma_start3A_194] : memref<10000x144xf32, #tpu.memory_space<vmem_shared>> -> memref<80x144xf32, #tpu.memory_space<vmem_shared>>
      %dma_start3A_196 = arith.constant 0 : i32
      %dma_start3A_197 = tpu.memref_slice %arg21[%add3A_26, %dma_start3A_196] : memref<10000x144xf32, #tpu.memory_space<vmem_shared>> -> memref<80x144xf32, #tpu.memory_space<vmem_shared>>
      tpu.enqueue_dma source(%arg20 : memref<80x144xf32, #tpu.memory_space<vmem>>) target(%dma_start3A_197 : memref<80x144xf32, #tpu.memory_space<vmem_shared>>) target_semaphore(%run_scoped3A : memref<!tpu.dma_semaphore, #tpu.memory_space<semaphore_mem>>)
      %dma_wait3A_198 = arith.constant 0 : i32
      %dma_wait3A_199 = tpu.memref_slice %arg21[%add3A_26, %dma_wait3A_198] : memref<10000x144xf32, #tpu.memory_space<vmem_shared>> -> memref<80x144xf32, #tpu.memory_space<vmem_shared>>
      %dma_wait3A_200 = arith.constant 0 : i32
      %dma_wait3A_201 = tpu.memref_slice %arg21[%add3A_26, %dma_wait3A_200] : memref<10000x144xf32, #tpu.memory_space<vmem_shared>> -> memref<80x144xf32, #tpu.memory_space<vmem_shared>>
      tpu.wait_dma2 semaphore(%run_scoped3A : memref<!tpu.dma_semaphore, #tpu.memory_space<semaphore_mem>>) src(%arg20 : memref<80x144xf32, #tpu.memory_space<vmem>>) dst(%dma_wait3A_201 : memref<80x144xf32, #tpu.memory_space<vmem_shared>>)
      tpu.yield
    }) : () -> ()
    %mul3A_27 = arith.constant 625 : i32
    %mul3A_28 = arith.muli %arg1, %mul3A_27 : i32
    %add3A_29 = arith.constant 400 : i32
    %add3A_30 = arith.addi %mul3A_28, %add3A_29 : i32
    "tpu.region"() ({
      %run_scoped3A = tpu.sem_alloc : memref<!tpu.dma_semaphore, #tpu.memory_space<semaphore_mem>>
      %dma_start3A_194 = arith.constant 0 : i32
      %dma_start3A_195 = tpu.memref_slice %arg21[%add3A_30, %dma_start3A_194] : memref<10000x144xf32, #tpu.memory_space<vmem_shared>> -> memref<80x144xf32, #tpu.memory_space<vmem_shared>>
      %dma_start3A_196 = arith.constant 0 : i32
      %dma_start3A_197 = tpu.memref_slice %arg21[%add3A_30, %dma_start3A_196] : memref<10000x144xf32, #tpu.memory_space<vmem_shared>> -> memref<80x144xf32, #tpu.memory_space<vmem_shared>>
      tpu.enqueue_dma source(%arg20 : memref<80x144xf32, #tpu.memory_space<vmem>>) target(%dma_start3A_197 : memref<80x144xf32, #tpu.memory_space<vmem_shared>>) target_semaphore(%run_scoped3A : memref<!tpu.dma_semaphore, #tpu.memory_space<semaphore_mem>>)
      %dma_wait3A_198 = arith.constant 0 : i32
      %dma_wait3A_199 = tpu.memref_slice %arg21[%add3A_30, %dma_wait3A_198] : memref<10000x144xf32, #tpu.memory_space<vmem_shared>> -> memref<80x144xf32, #tpu.memory_space<vmem_shared>>
      %dma_wait3A_200 = arith.constant 0 : i32
      %dma_wait3A_201 = tpu.memref_slice %arg21[%add3A_30, %dma_wait3A_200] : memref<10000x144xf32, #tpu.memory_space<vmem_shared>> -> memref<80x144xf32, #tpu.memory_space<vmem_shared>>
      tpu.wait_dma2 semaphore(%run_scoped3A : memref<!tpu.dma_semaphore, #tpu.memory_space<semaphore_mem>>) src(%arg20 : memref<80x144xf32, #tpu.memory_space<vmem>>) dst(%dma_wait3A_201 : memref<80x144xf32, #tpu.memory_space<vmem_shared>>)
      tpu.yield
    }) : () -> ()
    %mul3A_31 = arith.constant 625 : i32
    %mul3A_32 = arith.muli %arg1, %mul3A_31 : i32
    %add3A_33 = arith.constant 480 : i32
    %add3A_34 = arith.addi %mul3A_32, %add3A_33 : i32
    "tpu.region"() ({
      %run_scoped3A = tpu.sem_alloc : memref<!tpu.dma_semaphore, #tpu.memory_space<semaphore_mem>>
      %dma_start3A_194 = arith.constant 0 : i32
      %dma_start3A_195 = tpu.memref_slice %arg21[%add3A_34, %dma_start3A_194] : memref<10000x144xf32, #tpu.memory_space<vmem_shared>> -> memref<80x144xf32, #tpu.memory_space<vmem_shared>>
      %dma_start3A_196 = arith.constant 0 : i32
      %dma_start3A_197 = tpu.memref_slice %arg21[%add3A_34, %dma_start3A_196] : memref<10000x144xf32, #tpu.memory_space<vmem_shared>> -> memref<80x144xf32, #tpu.memory_space<vmem_shared>>
      tpu.enqueue_dma source(%arg20 : memref<80x144xf32, #tpu.memory_space<vmem>>) target(%dma_start3A_197 : memref<80x144xf32, #tpu.memory_space<vmem_shared>>) target_semaphore(%run_scoped3A : memref<!tpu.dma_semaphore, #tpu.memory_space<semaphore_mem>>)
      %dma_wait3A_198 = arith.constant 0 : i32
      %dma_wait3A_199 = tpu.memref_slice %arg21[%add3A_34, %dma_wait3A_198] : memref<10000x144xf32, #tpu.memory_space<vmem_shared>> -> memref<80x144xf32, #tpu.memory_space<vmem_shared>>
      %dma_wait3A_200 = arith.constant 0 : i32
      %dma_wait3A_201 = tpu.memref_slice %arg21[%add3A_34, %dma_wait3A_200] : memref<10000x144xf32, #tpu.memory_space<vmem_shared>> -> memref<80x144xf32, #tpu.memory_space<vmem_shared>>
      tpu.wait_dma2 semaphore(%run_scoped3A : memref<!tpu.dma_semaphore, #tpu.memory_space<semaphore_mem>>) src(%arg20 : memref<80x144xf32, #tpu.memory_space<vmem>>) dst(%dma_wait3A_201 : memref<80x144xf32, #tpu.memory_space<vmem_shared>>)
      tpu.yield
    }) : () -> ()
    %mul3A_35 = arith.constant 625 : i32
    %mul3A_36 = arith.muli %arg1, %mul3A_35 : i32
    %add3A_37 = arith.constant 560 : i32
    %add3A_38 = arith.addi %mul3A_36, %add3A_37 : i32
    "tpu.region"() ({
      %run_scoped3A = tpu.sem_alloc : memref<!tpu.dma_semaphore, #tpu.memory_space<semaphore_mem>>
      %dma_start3A_194 = arith.constant 0 : i32
      %dma_start3A_195 = arith.constant 0 : i32
      %dma_start3A_196 = tpu.memref_slice %arg20[%dma_start3A_194, %dma_start3A_195] : memref<80x144xf32, #tpu.memory_space<vmem>> -> memref<65x144xf32, #tpu.memory_space<vmem>>
      %dma_start3A_197 = arith.constant 0 : i32
      %dma_start3A_198 = tpu.memref_slice %arg21[%add3A_38, %dma_start3A_197] : memref<10000x144xf32, #tpu.memory_space<vmem_shared>> -> memref<65x144xf32, #tpu.memory_space<vmem_shared>>
      %dma_start3A_199 = arith.constant 0 : i32
      %dma_start3A_200 = tpu.memref_slice %arg21[%add3A_38, %dma_start3A_199] : memref<10000x144xf32, #tpu.memory_space<vmem_shared>> -> memref<65x144xf32, #tpu.memory_space<vmem_shared>>
      %dma_start3A_201 = arith.constant 0 : i32
      %dma_start3A_202 = arith.constant 0 : i32
      %dma_start3A_203 = tpu.memref_slice %arg20[%dma_start3A_201, %dma_start3A_202] : memref<80x144xf32, #tpu.memory_space<vmem>> -> memref<65x144xf32, #tpu.memory_space<vmem>>
      tpu.enqueue_dma source(%dma_start3A_203 : memref<65x144xf32, #tpu.memory_space<vmem>>) target(%dma_start3A_200 : memref<65x144xf32, #tpu.memory_space<vmem_shared>>) target_semaphore(%run_scoped3A : memref<!tpu.dma_semaphore, #tpu.memory_space<semaphore_mem>>)
      %dma_wait3A_204 = arith.constant 0 : i32
      %dma_wait3A_205 = arith.constant 0 : i32
      %dma_wait3A_206 = tpu.memref_slice %arg20[%dma_wait3A_204, %dma_wait3A_205] : memref<80x144xf32, #tpu.memory_space<vmem>> -> memref<65x144xf32, #tpu.memory_space<vmem>>
      %dma_wait3A_207 = arith.constant 0 : i32
      %dma_wait3A_208 = tpu.memref_slice %arg21[%add3A_38, %dma_wait3A_207] : memref<10000x144xf32, #tpu.memory_space<vmem_shared>> -> memref<65x144xf32, #tpu.memory_space<vmem_shared>>
      %dma_wait3A_209 = arith.constant 0 : i32
      %dma_wait3A_210 = tpu.memref_slice %arg21[%add3A_38, %dma_wait3A_209] : memref<10000x144xf32, #tpu.memory_space<vmem_shared>> -> memref<65x144xf32, #tpu.memory_space<vmem_shared>>
      %dma_wait3A_211 = arith.constant 0 : i32
      %dma_wait3A_212 = arith.constant 0 : i32
      %dma_wait3A_213 = tpu.memref_slice %arg20[%dma_wait3A_211, %dma_wait3A_212] : memref<80x144xf32, #tpu.memory_space<vmem>> -> memref<65x144xf32, #tpu.memory_space<vmem>>
      tpu.wait_dma2 semaphore(%run_scoped3A : memref<!tpu.dma_semaphore, #tpu.memory_space<semaphore_mem>>) src(%dma_wait3A_213 : memref<65x144xf32, #tpu.memory_space<vmem>>) dst(%dma_wait3A_210 : memref<65x144xf32, #tpu.memory_space<vmem_shared>>)
      tpu.yield
    }) : () -> ()
    %barrier3A = arith.constant 0 : index
    tpu.barrier barrier_id(%barrier3A)
    %mul3A_39 = arith.constant 10000 : i32
    %mul3A_40 = arith.muli %add3A, %mul3A_39 : i32
    %add3A_41 = arith.constant 0 : i32
    %add3A_42 = arith.addi %mul3A_40, %add3A_41 : i32
    %dma_start3A = arith.constant 0 : i32
    %dma_start3A_43 = arith.constant 0 : i32
    %dma_start3A_44 = arith.constant 0 : i32
    %dma_start3A_45 = arith.constant 0 : i32
    %dma_start3A_46 = tpu.memref_slice %arg13[%dma_start3A_43, %dma_start3A_45] : memref<2x80xi32, #tpu.memory_space<vmem>> -> memref<1x80xi32, #tpu.memory_space<vmem>>
    %dma_start3A_47 = tpu.memref_squeeze %dma_start3A_46 : memref<1x80xi32, #tpu.memory_space<vmem>> -> memref<80xi32, #tpu.memory_space<vmem>>
    %dma_start3A_48 = arith.constant 0 : i32
    %dma_start3A_49 = tpu.memref_slice %arg2[%add3A, %dma_start3A, %dma_start3A_48] : memref<32x125x80xi32, #tpu.memory_space<hbm>> -> memref<1x1x80xi32, #tpu.memory_space<hbm>>
    %dma_start3A_50 = tpu.memref_squeeze %dma_start3A_49 : memref<1x1x80xi32, #tpu.memory_space<hbm>> -> memref<80xi32, #tpu.memory_space<hbm>>
    %dma_start3A_51 = tpu.memref_slice %arg22[%dma_start3A_44] : memref<2x!tpu.dma_semaphore, #tpu.memory_space<semaphore_mem>> -> memref<1x!tpu.dma_semaphore, #tpu.memory_space<semaphore_mem>>
    %dma_start3A_52 = tpu.memref_squeeze %dma_start3A_51 : memref<1x!tpu.dma_semaphore, #tpu.memory_space<semaphore_mem>> -> memref<!tpu.dma_semaphore, #tpu.memory_space<semaphore_mem>>
    %dma_start3A_53 = arith.constant 0 : i32
    %dma_start3A_54 = tpu.memref_slice %arg13[%dma_start3A_43, %dma_start3A_53] : memref<2x80xi32, #tpu.memory_space<vmem>> -> memref<1x80xi32, #tpu.memory_space<vmem>>
    %dma_start3A_55 = tpu.memref_squeeze %dma_start3A_54 : memref<1x80xi32, #tpu.memory_space<vmem>> -> memref<80xi32, #tpu.memory_space<vmem>>
    %dma_start3A_56 = arith.constant 0 : i32
    %dma_start3A_57 = tpu.memref_slice %arg2[%add3A, %dma_start3A, %dma_start3A_56] : memref<32x125x80xi32, #tpu.memory_space<hbm>> -> memref<1x1x80xi32, #tpu.memory_space<hbm>>
    %dma_start3A_58 = tpu.memref_squeeze %dma_start3A_57 : memref<1x1x80xi32, #tpu.memory_space<hbm>> -> memref<80xi32, #tpu.memory_space<hbm>>
    tpu.enqueue_dma source(%dma_start3A_58 : memref<80xi32, #tpu.memory_space<hbm>>) target(%dma_start3A_55 : memref<80xi32, #tpu.memory_space<vmem>>) target_semaphore(%dma_start3A_52 : memref<!tpu.dma_semaphore, #tpu.memory_space<semaphore_mem>>)
    %dma_start3A_59 = arith.constant 0 : i32
    %dma_start3A_60 = arith.constant 0 : i32
    %dma_start3A_61 = arith.constant 0 : i32
    %dma_start3A_62 = arith.constant 0 : i32
    %dma_start3A_63 = tpu.memref_slice %arg14[%dma_start3A_60, %dma_start3A_62] : memref<2x80xi32, #tpu.memory_space<vmem>> -> memref<1x80xi32, #tpu.memory_space<vmem>>
    %dma_start3A_64 = tpu.memref_squeeze %dma_start3A_63 : memref<1x80xi32, #tpu.memory_space<vmem>> -> memref<80xi32, #tpu.memory_space<vmem>>
    %dma_start3A_65 = arith.constant 0 : i32
    %dma_start3A_66 = tpu.memref_slice %arg3[%add3A, %dma_start3A_59, %dma_start3A_65] : memref<32x125x80xi32, #tpu.memory_space<hbm>> -> memref<1x1x80xi32, #tpu.memory_space<hbm>>
    %dma_start3A_67 = tpu.memref_squeeze %dma_start3A_66 : memref<1x1x80xi32, #tpu.memory_space<hbm>> -> memref<80xi32, #tpu.memory_space<hbm>>
    %dma_start3A_68 = tpu.memref_slice %arg22[%dma_start3A_61] : memref<2x!tpu.dma_semaphore, #tpu.memory_space<semaphore_mem>> -> memref<1x!tpu.dma_semaphore, #tpu.memory_space<semaphore_mem>>
    %dma_start3A_69 = tpu.memref_squeeze %dma_start3A_68 : memref<1x!tpu.dma_semaphore, #tpu.memory_space<semaphore_mem>> -> memref<!tpu.dma_semaphore, #tpu.memory_space<semaphore_mem>>
    %dma_start3A_70 = arith.constant 0 : i32
    %dma_start3A_71 = tpu.memref_slice %arg14[%dma_start3A_60, %dma_start3A_70] : memref<2x80xi32, #tpu.memory_space<vmem>> -> memref<1x80xi32, #tpu.memory_space<vmem>>
    %dma_start3A_72 = tpu.memref_squeeze %dma_start3A_71 : memref<1x80xi32, #tpu.memory_space<vmem>> -> memref<80xi32, #tpu.memory_space<vmem>>
    %dma_start3A_73 = arith.constant 0 : i32
    %dma_start3A_74 = tpu.memref_slice %arg3[%add3A, %dma_start3A_59, %dma_start3A_73] : memref<32x125x80xi32, #tpu.memory_space<hbm>> -> memref<1x1x80xi32, #tpu.memory_space<hbm>>
    %dma_start3A_75 = tpu.memref_squeeze %dma_start3A_74 : memref<1x1x80xi32, #tpu.memory_space<hbm>> -> memref<80xi32, #tpu.memory_space<hbm>>
    tpu.enqueue_dma source(%dma_start3A_75 : memref<80xi32, #tpu.memory_space<hbm>>) target(%dma_start3A_72 : memref<80xi32, #tpu.memory_space<vmem>>) target_semaphore(%dma_start3A_69 : memref<!tpu.dma_semaphore, #tpu.memory_space<semaphore_mem>>)
    %dma_start3A_76 = arith.constant 0 : i32
    %dma_start3A_77 = arith.constant 0 : i32
    %dma_start3A_78 = arith.constant 0 : i32
    %dma_start3A_79 = arith.constant 0 : i32
    %dma_start3A_80 = tpu.memref_slice %arg15[%dma_start3A_77, %dma_start3A_79] : memref<2x80xf32, #tpu.memory_space<vmem>> -> memref<1x80xf32, #tpu.memory_space<vmem>>
    %dma_start3A_81 = tpu.memref_squeeze %dma_start3A_80 : memref<1x80xf32, #tpu.memory_space<vmem>> -> memref<80xf32, #tpu.memory_space<vmem>>
    %dma_start3A_82 = arith.constant 0 : i32
    %dma_start3A_83 = tpu.memref_slice %arg4[%add3A, %dma_start3A_76, %dma_start3A_82] : memref<32x125x80xf32, #tpu.memory_space<hbm>> -> memref<1x1x80xf32, #tpu.memory_space<hbm>>
    %dma_start3A_84 = tpu.memref_squeeze %dma_start3A_83 : memref<1x1x80xf32, #tpu.memory_space<hbm>> -> memref<80xf32, #tpu.memory_space<hbm>>
    %dma_start3A_85 = tpu.memref_slice %arg22[%dma_start3A_78] : memref<2x!tpu.dma_semaphore, #tpu.memory_space<semaphore_mem>> -> memref<1x!tpu.dma_semaphore, #tpu.memory_space<semaphore_mem>>
    %dma_start3A_86 = tpu.memref_squeeze %dma_start3A_85 : memref<1x!tpu.dma_semaphore, #tpu.memory_space<semaphore_mem>> -> memref<!tpu.dma_semaphore, #tpu.memory_space<semaphore_mem>>
    %dma_start3A_87 = arith.constant 0 : i32
    %dma_start3A_88 = tpu.memref_slice %arg15[%dma_start3A_77, %dma_start3A_87] : memref<2x80xf32, #tpu.memory_space<vmem>> -> memref<1x80xf32, #tpu.memory_space<vmem>>
    %dma_start3A_89 = tpu.memref_squeeze %dma_start3A_88 : memref<1x80xf32, #tpu.memory_space<vmem>> -> memref<80xf32, #tpu.memory_space<vmem>>
    %dma_start3A_90 = arith.constant 0 : i32
    %dma_start3A_91 = tpu.memref_slice %arg4[%add3A, %dma_start3A_76, %dma_start3A_90] : memref<32x125x80xf32, #tpu.memory_space<hbm>> -> memref<1x1x80xf32, #tpu.memory_space<hbm>>
    %dma_start3A_92 = tpu.memref_squeeze %dma_start3A_91 : memref<1x1x80xf32, #tpu.memory_space<hbm>> -> memref<80xf32, #tpu.memory_space<hbm>>
    tpu.enqueue_dma source(%dma_start3A_92 : memref<80xf32, #tpu.memory_space<hbm>>) target(%dma_start3A_89 : memref<80xf32, #tpu.memory_space<vmem>>) target_semaphore(%dma_start3A_86 : memref<!tpu.dma_semaphore, #tpu.memory_space<semaphore_mem>>)
    %dma_start3A_93 = arith.constant 0 : i32
    %dma_start3A_94 = arith.constant 0 : i32
    %dma_start3A_95 = arith.constant 0 : i32
    %dma_start3A_96 = arith.constant 0 : i32
    %dma_start3A_97 = tpu.memref_slice %arg19[%dma_start3A_93, %dma_start3A_95, %dma_start3A_96] : memref<2x80x128xf32, #tpu.memory_space<vmem>> -> memref<1x80x128xf32, #tpu.memory_space<vmem>>
    %dma_start3A_98 = tpu.memref_squeeze %dma_start3A_97 : memref<1x80x128xf32, #tpu.memory_space<vmem>> -> memref<80x128xf32, #tpu.memory_space<vmem>>
    %dma_start3A_99 = arith.constant 0 : i32
    %dma_start3A_100 = tpu.memref_slice %arg10[%add3A_42, %dma_start3A_99] : memref<320000x128xf32, #tpu.memory_space<hbm>> -> memref<80x128xf32, #tpu.memory_space<hbm>>
    %dma_start3A_101 = tpu.memref_slice %arg22[%dma_start3A_94] : memref<2x!tpu.dma_semaphore, #tpu.memory_space<semaphore_mem>> -> memref<1x!tpu.dma_semaphore, #tpu.memory_space<semaphore_mem>>
    %dma_start3A_102 = tpu.memref_squeeze %dma_start3A_101 : memref<1x!tpu.dma_semaphore, #tpu.memory_space<semaphore_mem>> -> memref<!tpu.dma_semaphore, #tpu.memory_space<semaphore_mem>>
    %dma_start3A_103 = arith.constant 0 : i32
    %dma_start3A_104 = arith.constant 0 : i32
    %dma_start3A_105 = tpu.memref_slice %arg19[%dma_start3A_93, %dma_start3A_103, %dma_start3A_104] : memref<2x80x128xf32, #tpu.memory_space<vmem>> -> memref<1x80x128xf32, #tpu.memory_space<vmem>>
    %dma_start3A_106 = tpu.memref_squeeze %dma_start3A_105 : memref<1x80x128xf32, #tpu.memory_space<vmem>> -> memref<80x128xf32, #tpu.memory_space<vmem>>
    %dma_start3A_107 = arith.constant 0 : i32
    %dma_start3A_108 = tpu.memref_slice %arg10[%add3A_42, %dma_start3A_107] : memref<320000x128xf32, #tpu.memory_space<hbm>> -> memref<80x128xf32, #tpu.memory_space<hbm>>
    tpu.enqueue_dma source(%dma_start3A_108 : memref<80x128xf32, #tpu.memory_space<hbm>>) target(%dma_start3A_106 : memref<80x128xf32, #tpu.memory_space<vmem>>) target_semaphore(%dma_start3A_102 : memref<!tpu.dma_semaphore, #tpu.memory_space<semaphore_mem>>)
    %scan3A_109 = arith.constant 0 : i32
    %scan3A_110 = arith.constant 0 : i32
    %scan3A_111 = arith.constant 125 : i32
    %scan3A_112 = arith.addi %scan3A_110, %scan3A_111 : i32
    %scan3A_113 = arith.constant 1 : i32
    %scan3A_114 = scf.for %scan3A_194 = %scan3A_110 to %scan3A_112 step %scan3A_113 iter_args(%scan3A_195 = %scan3A_109) -> (i32)  : i32 {
      %jit3A = arith.constant 2 : i32
      %eq3A = arith.constant 0 : i32
      %eq3A_196 = arith.cmpi eq, %jit3A, %eq3A : i32
      %jit3A_197 = arith.constant 1 : i32
      %select_n3A = arith.select %eq3A_196, %jit3A_197, %jit3A : i32
      %rem3A = arith.remsi %scan3A_194, %select_n3A : i32
      %ne3A = arith.constant 0 : i32
      %ne3A_198 = arith.cmpi ne, %rem3A, %ne3A : i32
      %lt3A = arith.constant 0 : i32
      %lt3A_199 = arith.cmpi slt, %rem3A, %lt3A : i32
      %lt3A_200 = arith.constant 0 : i32
      %lt3A_201 = arith.cmpi slt, %select_n3A, %lt3A_200 : i32
      %ne3A_202 = arith.xori %lt3A_199, %lt3A_201 : i1
      %and3A = arith.andi %ne3A_202, %ne3A_198 : i1
      %add3A_203 = arith.addi %rem3A, %select_n3A : i32
      %select_n3A_204 = arith.select %and3A, %add3A_203, %rem3A : i32
      %add3A_205 = arith.constant 1 : i32
      %add3A_206 = arith.addi %scan3A_194, %add3A_205 : i32
      %min3A = arith.constant 124 : i32
      %min3A_207 = arith.minsi %add3A_206, %min3A : i32
      %add3A_208 = arith.constant 1 : i32
      %add3A_209 = arith.addi %scan3A_194, %add3A_208 : i32
      %jit3A_210 = arith.constant 2 : i32
      %eq3A_211 = arith.constant 0 : i32
      %eq3A_212 = arith.cmpi eq, %jit3A_210, %eq3A_211 : i32
      %jit3A_213 = arith.constant 1 : i32
      %select_n3A_214 = arith.select %eq3A_212, %jit3A_213, %jit3A_210 : i32
      %rem3A_215 = arith.remsi %add3A_209, %select_n3A_214 : i32
      %ne3A_216 = arith.constant 0 : i32
      %ne3A_217 = arith.cmpi ne, %rem3A_215, %ne3A_216 : i32
      %lt3A_218 = arith.constant 0 : i32
      %lt3A_219 = arith.cmpi slt, %rem3A_215, %lt3A_218 : i32
      %lt3A_220 = arith.constant 0 : i32
      %lt3A_221 = arith.cmpi slt, %select_n3A_214, %lt3A_220 : i32
      %ne3A_222 = arith.xori %lt3A_219, %lt3A_221 : i1
      %and3A_223 = arith.andi %ne3A_222, %ne3A_217 : i1
      %add3A_224 = arith.addi %rem3A_215, %select_n3A_214 : i32
      %select_n3A_225 = arith.select %and3A_223, %add3A_224, %rem3A_215 : i32
      %mul3A_226 = arith.constant 10000 : i32
      %mul3A_227 = arith.muli %add3A, %mul3A_226 : i32
      %mul3A_228 = arith.constant 80 : i32
      %mul3A_229 = arith.muli %min3A_207, %mul3A_228 : i32
      %add3A_230 = arith.addi %mul3A_227, %mul3A_229 : i32
      %dma_start3A_231 = arith.constant 0 : i32
      %dma_start3A_232 = tpu.memref_slice %arg13[%select_n3A_225, %dma_start3A_231] : memref<2x80xi32, #tpu.memory_space<vmem>> -> memref<1x80xi32, #tpu.memory_space<vmem>>
      %dma_start3A_233 = tpu.memref_squeeze %dma_start3A_232 : memref<1x80xi32, #tpu.memory_space<vmem>> -> memref<80xi32, #tpu.memory_space<vmem>>
      %dma_start3A_234 = arith.constant 0 : i32
      %dma_start3A_235 = tpu.memref_slice %arg2[%add3A, %min3A_207, %dma_start3A_234] : memref<32x125x80xi32, #tpu.memory_space<hbm>> -> memref<1x1x80xi32, #tpu.memory_space<hbm>>
      %dma_start3A_236 = tpu.memref_squeeze %dma_start3A_235 : memref<1x1x80xi32, #tpu.memory_space<hbm>> -> memref<80xi32, #tpu.memory_space<hbm>>
      %dma_start3A_237 = tpu.memref_slice %arg22[%select_n3A_225] : memref<2x!tpu.dma_semaphore, #tpu.memory_space<semaphore_mem>> -> memref<1x!tpu.dma_semaphore, #tpu.memory_space<semaphore_mem>>
      %dma_start3A_238 = tpu.memref_squeeze %dma_start3A_237 : memref<1x!tpu.dma_semaphore, #tpu.memory_space<semaphore_mem>> -> memref<!tpu.dma_semaphore, #tpu.memory_space<semaphore_mem>>
      %dma_start3A_239 = arith.constant 0 : i32
      %dma_start3A_240 = tpu.memref_slice %arg13[%select_n3A_225, %dma_start3A_239] : memref<2x80xi32, #tpu.memory_space<vmem>> -> memref<1x80xi32, #tpu.memory_space<vmem>>
      %dma_start3A_241 = tpu.memref_squeeze %dma_start3A_240 : memref<1x80xi32, #tpu.memory_space<vmem>> -> memref<80xi32, #tpu.memory_space<vmem>>
      %dma_start3A_242 = arith.constant 0 : i32
      %dma_start3A_243 = tpu.memref_slice %arg2[%add3A, %min3A_207, %dma_start3A_242] : memref<32x125x80xi32, #tpu.memory_space<hbm>> -> memref<1x1x80xi32, #tpu.memory_space<hbm>>
      %dma_start3A_244 = tpu.memref_squeeze %dma_start3A_243 : memref<1x1x80xi32, #tpu.memory_space<hbm>> -> memref<80xi32, #tpu.memory_space<hbm>>
      tpu.enqueue_dma source(%dma_start3A_244 : memref<80xi32, #tpu.memory_space<hbm>>) target(%dma_start3A_241 : memref<80xi32, #tpu.memory_space<vmem>>) target_semaphore(%dma_start3A_238 : memref<!tpu.dma_semaphore, #tpu.memory_space<semaphore_mem>>)
      %dma_start3A_245 = arith.constant 0 : i32
      %dma_start3A_246 = tpu.memref_slice %arg14[%select_n3A_225, %dma_start3A_245] : memref<2x80xi32, #tpu.memory_space<vmem>> -> memref<1x80xi32, #tpu.memory_space<vmem>>
      %dma_start3A_247 = tpu.memref_squeeze %dma_start3A_246 : memref<1x80xi32, #tpu.memory_space<vmem>> -> memref<80xi32, #tpu.memory_space<vmem>>
      %dma_start3A_248 = arith.constant 0 : i32
      %dma_start3A_249 = tpu.memref_slice %arg3[%add3A, %min3A_207, %dma_start3A_248] : memref<32x125x80xi32, #tpu.memory_space<hbm>> -> memref<1x1x80xi32, #tpu.memory_space<hbm>>
      %dma_start3A_250 = tpu.memref_squeeze %dma_start3A_249 : memref<1x1x80xi32, #tpu.memory_space<hbm>> -> memref<80xi32, #tpu.memory_space<hbm>>
      %dma_start3A_251 = tpu.memref_slice %arg22[%select_n3A_225] : memref<2x!tpu.dma_semaphore, #tpu.memory_space<semaphore_mem>> -> memref<1x!tpu.dma_semaphore, #tpu.memory_space<semaphore_mem>>
      %dma_start3A_252 = tpu.memref_squeeze %dma_start3A_251 : memref<1x!tpu.dma_semaphore, #tpu.memory_space<semaphore_mem>> -> memref<!tpu.dma_semaphore, #tpu.memory_space<semaphore_mem>>
      %dma_start3A_253 = arith.constant 0 : i32
      %dma_start3A_254 = tpu.memref_slice %arg14[%select_n3A_225, %dma_start3A_253] : memref<2x80xi32, #tpu.memory_space<vmem>> -> memref<1x80xi32, #tpu.memory_space<vmem>>
      %dma_start3A_255 = tpu.memref_squeeze %dma_start3A_254 : memref<1x80xi32, #tpu.memory_space<vmem>> -> memref<80xi32, #tpu.memory_space<vmem>>
      %dma_start3A_256 = arith.constant 0 : i32
      %dma_start3A_257 = tpu.memref_slice %arg3[%add3A, %min3A_207, %dma_start3A_256] : memref<32x125x80xi32, #tpu.memory_space<hbm>> -> memref<1x1x80xi32, #tpu.memory_space<hbm>>
      %dma_start3A_258 = tpu.memref_squeeze %dma_start3A_257 : memref<1x1x80xi32, #tpu.memory_space<hbm>> -> memref<80xi32, #tpu.memory_space<hbm>>
      tpu.enqueue_dma source(%dma_start3A_258 : memref<80xi32, #tpu.memory_space<hbm>>) target(%dma_start3A_255 : memref<80xi32, #tpu.memory_space<vmem>>) target_semaphore(%dma_start3A_252 : memref<!tpu.dma_semaphore, #tpu.memory_space<semaphore_mem>>)
      %dma_start3A_259 = arith.constant 0 : i32
      %dma_start3A_260 = tpu.memref_slice %arg15[%select_n3A_225, %dma_start3A_259] : memref<2x80xf32, #tpu.memory_space<vmem>> -> memref<1x80xf32, #tpu.memory_space<vmem>>
      %dma_start3A_261 = tpu.memref_squeeze %dma_start3A_260 : memref<1x80xf32, #tpu.memory_space<vmem>> -> memref<80xf32, #tpu.memory_space<vmem>>
      %dma_start3A_262 = arith.constant 0 : i32
      %dma_start3A_263 = tpu.memref_slice %arg4[%add3A, %min3A_207, %dma_start3A_262] : memref<32x125x80xf32, #tpu.memory_space<hbm>> -> memref<1x1x80xf32, #tpu.memory_space<hbm>>
      %dma_start3A_264 = tpu.memref_squeeze %dma_start3A_263 : memref<1x1x80xf32, #tpu.memory_space<hbm>> -> memref<80xf32, #tpu.memory_space<hbm>>
      %dma_start3A_265 = tpu.memref_slice %arg22[%select_n3A_225] : memref<2x!tpu.dma_semaphore, #tpu.memory_space<semaphore_mem>> -> memref<1x!tpu.dma_semaphore, #tpu.memory_space<semaphore_mem>>
      %dma_start3A_266 = tpu.memref_squeeze %dma_start3A_265 : memref<1x!tpu.dma_semaphore, #tpu.memory_space<semaphore_mem>> -> memref<!tpu.dma_semaphore, #tpu.memory_space<semaphore_mem>>
      %dma_start3A_267 = arith.constant 0 : i32
      %dma_start3A_268 = tpu.memref_slice %arg15[%select_n3A_225, %dma_start3A_267] : memref<2x80xf32, #tpu.memory_space<vmem>> -> memref<1x80xf32, #tpu.memory_space<vmem>>
      %dma_start3A_269 = tpu.memref_squeeze %dma_start3A_268 : memref<1x80xf32, #tpu.memory_space<vmem>> -> memref<80xf32, #tpu.memory_space<vmem>>
      %dma_start3A_270 = arith.constant 0 : i32
      %dma_start3A_271 = tpu.memref_slice %arg4[%add3A, %min3A_207, %dma_start3A_270] : memref<32x125x80xf32, #tpu.memory_space<hbm>> -> memref<1x1x80xf32, #tpu.memory_space<hbm>>
      %dma_start3A_272 = tpu.memref_squeeze %dma_start3A_271 : memref<1x1x80xf32, #tpu.memory_space<hbm>> -> memref<80xf32, #tpu.memory_space<hbm>>
      tpu.enqueue_dma source(%dma_start3A_272 : memref<80xf32, #tpu.memory_space<hbm>>) target(%dma_start3A_269 : memref<80xf32, #tpu.memory_space<vmem>>) target_semaphore(%dma_start3A_266 : memref<!tpu.dma_semaphore, #tpu.memory_space<semaphore_mem>>)
      %dma_start3A_273 = arith.constant 0 : i32
      %dma_start3A_274 = arith.constant 0 : i32
      %dma_start3A_275 = tpu.memref_slice %arg19[%select_n3A_225, %dma_start3A_273, %dma_start3A_274] : memref<2x80x128xf32, #tpu.memory_space<vmem>> -> memref<1x80x128xf32, #tpu.memory_space<vmem>>
      %dma_start3A_276 = tpu.memref_squeeze %dma_start3A_275 : memref<1x80x128xf32, #tpu.memory_space<vmem>> -> memref<80x128xf32, #tpu.memory_space<vmem>>
      %dma_start3A_277 = arith.constant 0 : i32
      %dma_start3A_278 = tpu.memref_slice %arg10[%add3A_230, %dma_start3A_277] : memref<320000x128xf32, #tpu.memory_space<hbm>> -> memref<80x128xf32, #tpu.memory_space<hbm>>
      %dma_start3A_279 = tpu.memref_slice %arg22[%select_n3A_225] : memref<2x!tpu.dma_semaphore, #tpu.memory_space<semaphore_mem>> -> memref<1x!tpu.dma_semaphore, #tpu.memory_space<semaphore_mem>>
      %dma_start3A_280 = tpu.memref_squeeze %dma_start3A_279 : memref<1x!tpu.dma_semaphore, #tpu.memory_space<semaphore_mem>> -> memref<!tpu.dma_semaphore, #tpu.memory_space<semaphore_mem>>
      %dma_start3A_281 = arith.constant 0 : i32
      %dma_start3A_282 = arith.constant 0 : i32
      %dma_start3A_283 = tpu.memref_slice %arg19[%select_n3A_225, %dma_start3A_281, %dma_start3A_282] : memref<2x80x128xf32, #tpu.memory_space<vmem>> -> memref<1x80x128xf32, #tpu.memory_space<vmem>>
      %dma_start3A_284 = tpu.memref_squeeze %dma_start3A_283 : memref<1x80x128xf32, #tpu.memory_space<vmem>> -> memref<80x128xf32, #tpu.memory_space<vmem>>
      %dma_start3A_285 = arith.constant 0 : i32
      %dma_start3A_286 = tpu.memref_slice %arg10[%add3A_230, %dma_start3A_285] : memref<320000x128xf32, #tpu.memory_space<hbm>> -> memref<80x128xf32, #tpu.memory_space<hbm>>
      tpu.enqueue_dma source(%dma_start3A_286 : memref<80x128xf32, #tpu.memory_space<hbm>>) target(%dma_start3A_284 : memref<80x128xf32, #tpu.memory_space<vmem>>) target_semaphore(%dma_start3A_280 : memref<!tpu.dma_semaphore, #tpu.memory_space<semaphore_mem>>)
      %mul3A_287 = arith.constant 10000 : i32
      %mul3A_288 = arith.muli %add3A, %mul3A_287 : i32
      %mul3A_289 = arith.constant 80 : i32
      %mul3A_290 = arith.muli %scan3A_194, %mul3A_289 : i32
      %add3A_291 = arith.addi %mul3A_288, %mul3A_290 : i32
      %dma_wait3A_292 = arith.constant 0 : i32
      %dma_wait3A_293 = tpu.memref_slice %arg13[%select_n3A_204, %dma_wait3A_292] : memref<2x80xi32, #tpu.memory_space<vmem>> -> memref<1x80xi32, #tpu.memory_space<vmem>>
      %dma_wait3A_294 = tpu.memref_squeeze %dma_wait3A_293 : memref<1x80xi32, #tpu.memory_space<vmem>> -> memref<80xi32, #tpu.memory_space<vmem>>
      %dma_wait3A_295 = arith.constant 0 : i32
      %dma_wait3A_296 = tpu.memref_slice %arg2[%add3A, %scan3A_194, %dma_wait3A_295] : memref<32x125x80xi32, #tpu.memory_space<hbm>> -> memref<1x1x80xi32, #tpu.memory_space<hbm>>
      %dma_wait3A_297 = tpu.memref_squeeze %dma_wait3A_296 : memref<1x1x80xi32, #tpu.memory_space<hbm>> -> memref<80xi32, #tpu.memory_space<hbm>>
      %dma_wait3A_298 = tpu.memref_slice %arg22[%select_n3A_204] : memref<2x!tpu.dma_semaphore, #tpu.memory_space<semaphore_mem>> -> memref<1x!tpu.dma_semaphore, #tpu.memory_space<semaphore_mem>>
      %dma_wait3A_299 = tpu.memref_squeeze %dma_wait3A_298 : memref<1x!tpu.dma_semaphore, #tpu.memory_space<semaphore_mem>> -> memref<!tpu.dma_semaphore, #tpu.memory_space<semaphore_mem>>
      %dma_wait3A_300 = arith.constant 0 : i32
      %dma_wait3A_301 = tpu.memref_slice %arg13[%select_n3A_204, %dma_wait3A_300] : memref<2x80xi32, #tpu.memory_space<vmem>> -> memref<1x80xi32, #tpu.memory_space<vmem>>
      %dma_wait3A_302 = tpu.memref_squeeze %dma_wait3A_301 : memref<1x80xi32, #tpu.memory_space<vmem>> -> memref<80xi32, #tpu.memory_space<vmem>>
      %dma_wait3A_303 = arith.constant 0 : i32
      %dma_wait3A_304 = tpu.memref_slice %arg2[%add3A, %scan3A_194, %dma_wait3A_303] : memref<32x125x80xi32, #tpu.memory_space<hbm>> -> memref<1x1x80xi32, #tpu.memory_space<hbm>>
      %dma_wait3A_305 = tpu.memref_squeeze %dma_wait3A_304 : memref<1x1x80xi32, #tpu.memory_space<hbm>> -> memref<80xi32, #tpu.memory_space<hbm>>
      tpu.wait_dma2 semaphore(%dma_wait3A_299 : memref<!tpu.dma_semaphore, #tpu.memory_space<semaphore_mem>>) src(%dma_wait3A_305 : memref<80xi32, #tpu.memory_space<hbm>>) dst(%dma_wait3A_302 : memref<80xi32, #tpu.memory_space<vmem>>)
      %dma_wait3A_306 = arith.constant 0 : i32
      %dma_wait3A_307 = tpu.memref_slice %arg14[%select_n3A_204, %dma_wait3A_306] : memref<2x80xi32, #tpu.memory_space<vmem>> -> memref<1x80xi32, #tpu.memory_space<vmem>>
      %dma_wait3A_308 = tpu.memref_squeeze %dma_wait3A_307 : memref<1x80xi32, #tpu.memory_space<vmem>> -> memref<80xi32, #tpu.memory_space<vmem>>
      %dma_wait3A_309 = arith.constant 0 : i32
      %dma_wait3A_310 = tpu.memref_slice %arg3[%add3A, %scan3A_194, %dma_wait3A_309] : memref<32x125x80xi32, #tpu.memory_space<hbm>> -> memref<1x1x80xi32, #tpu.memory_space<hbm>>
      %dma_wait3A_311 = tpu.memref_squeeze %dma_wait3A_310 : memref<1x1x80xi32, #tpu.memory_space<hbm>> -> memref<80xi32, #tpu.memory_space<hbm>>
      %dma_wait3A_312 = tpu.memref_slice %arg22[%select_n3A_204] : memref<2x!tpu.dma_semaphore, #tpu.memory_space<semaphore_mem>> -> memref<1x!tpu.dma_semaphore, #tpu.memory_space<semaphore_mem>>
      %dma_wait3A_313 = tpu.memref_squeeze %dma_wait3A_312 : memref<1x!tpu.dma_semaphore, #tpu.memory_space<semaphore_mem>> -> memref<!tpu.dma_semaphore, #tpu.memory_space<semaphore_mem>>
      %dma_wait3A_314 = arith.constant 0 : i32
      %dma_wait3A_315 = tpu.memref_slice %arg14[%select_n3A_204, %dma_wait3A_314] : memref<2x80xi32, #tpu.memory_space<vmem>> -> memref<1x80xi32, #tpu.memory_space<vmem>>
      %dma_wait3A_316 = tpu.memref_squeeze %dma_wait3A_315 : memref<1x80xi32, #tpu.memory_space<vmem>> -> memref<80xi32, #tpu.memory_space<vmem>>
      %dma_wait3A_317 = arith.constant 0 : i32
      %dma_wait3A_318 = tpu.memref_slice %arg3[%add3A, %scan3A_194, %dma_wait3A_317] : memref<32x125x80xi32, #tpu.memory_space<hbm>> -> memref<1x1x80xi32, #tpu.memory_space<hbm>>
      %dma_wait3A_319 = tpu.memref_squeeze %dma_wait3A_318 : memref<1x1x80xi32, #tpu.memory_space<hbm>> -> memref<80xi32, #tpu.memory_space<hbm>>
      tpu.wait_dma2 semaphore(%dma_wait3A_313 : memref<!tpu.dma_semaphore, #tpu.memory_space<semaphore_mem>>) src(%dma_wait3A_319 : memref<80xi32, #tpu.memory_space<hbm>>) dst(%dma_wait3A_316 : memref<80xi32, #tpu.memory_space<vmem>>)
      %dma_wait3A_320 = arith.constant 0 : i32
      %dma_wait3A_321 = tpu.memref_slice %arg15[%select_n3A_204, %dma_wait3A_320] : memref<2x80xf32, #tpu.memory_space<vmem>> -> memref<1x80xf32, #tpu.memory_space<vmem>>
      %dma_wait3A_322 = tpu.memref_squeeze %dma_wait3A_321 : memref<1x80xf32, #tpu.memory_space<vmem>> -> memref<80xf32, #tpu.memory_space<vmem>>
      %dma_wait3A_323 = arith.constant 0 : i32
      %dma_wait3A_324 = tpu.memref_slice %arg4[%add3A, %scan3A_194, %dma_wait3A_323] : memref<32x125x80xf32, #tpu.memory_space<hbm>> -> memref<1x1x80xf32, #tpu.memory_space<hbm>>
      %dma_wait3A_325 = tpu.memref_squeeze %dma_wait3A_324 : memref<1x1x80xf32, #tpu.memory_space<hbm>> -> memref<80xf32, #tpu.memory_space<hbm>>
      %dma_wait3A_326 = tpu.memref_slice %arg22[%select_n3A_204] : memref<2x!tpu.dma_semaphore, #tpu.memory_space<semaphore_mem>> -> memref<1x!tpu.dma_semaphore, #tpu.memory_space<semaphore_mem>>
      %dma_wait3A_327 = tpu.memref_squeeze %dma_wait3A_326 : memref<1x!tpu.dma_semaphore, #tpu.memory_space<semaphore_mem>> -> memref<!tpu.dma_semaphore, #tpu.memory_space<semaphore_mem>>
      %dma_wait3A_328 = arith.constant 0 : i32
      %dma_wait3A_329 = tpu.memref_slice %arg15[%select_n3A_204, %dma_wait3A_328] : memref<2x80xf32, #tpu.memory_space<vmem>> -> memref<1x80xf32, #tpu.memory_space<vmem>>
      %dma_wait3A_330 = tpu.memref_squeeze %dma_wait3A_329 : memref<1x80xf32, #tpu.memory_space<vmem>> -> memref<80xf32, #tpu.memory_space<vmem>>
      %dma_wait3A_331 = arith.constant 0 : i32
      %dma_wait3A_332 = tpu.memref_slice %arg4[%add3A, %scan3A_194, %dma_wait3A_331] : memref<32x125x80xf32, #tpu.memory_space<hbm>> -> memref<1x1x80xf32, #tpu.memory_space<hbm>>
      %dma_wait3A_333 = tpu.memref_squeeze %dma_wait3A_332 : memref<1x1x80xf32, #tpu.memory_space<hbm>> -> memref<80xf32, #tpu.memory_space<hbm>>
      tpu.wait_dma2 semaphore(%dma_wait3A_327 : memref<!tpu.dma_semaphore, #tpu.memory_space<semaphore_mem>>) src(%dma_wait3A_333 : memref<80xf32, #tpu.memory_space<hbm>>) dst(%dma_wait3A_330 : memref<80xf32, #tpu.memory_space<vmem>>)
      %dma_wait3A_334 = arith.constant 0 : i32
      %dma_wait3A_335 = arith.constant 0 : i32
      %dma_wait3A_336 = tpu.memref_slice %arg19[%select_n3A_204, %dma_wait3A_334, %dma_wait3A_335] : memref<2x80x128xf32, #tpu.memory_space<vmem>> -> memref<1x80x128xf32, #tpu.memory_space<vmem>>
      %dma_wait3A_337 = tpu.memref_squeeze %dma_wait3A_336 : memref<1x80x128xf32, #tpu.memory_space<vmem>> -> memref<80x128xf32, #tpu.memory_space<vmem>>
      %dma_wait3A_338 = arith.constant 0 : i32
      %dma_wait3A_339 = tpu.memref_slice %arg10[%add3A_291, %dma_wait3A_338] : memref<320000x128xf32, #tpu.memory_space<hbm>> -> memref<80x128xf32, #tpu.memory_space<hbm>>
      %dma_wait3A_340 = tpu.memref_slice %arg22[%select_n3A_204] : memref<2x!tpu.dma_semaphore, #tpu.memory_space<semaphore_mem>> -> memref<1x!tpu.dma_semaphore, #tpu.memory_space<semaphore_mem>>
      %dma_wait3A_341 = tpu.memref_squeeze %dma_wait3A_340 : memref<1x!tpu.dma_semaphore, #tpu.memory_space<semaphore_mem>> -> memref<!tpu.dma_semaphore, #tpu.memory_space<semaphore_mem>>
      %dma_wait3A_342 = arith.constant 0 : i32
      %dma_wait3A_343 = arith.constant 0 : i32
      %dma_wait3A_344 = tpu.memref_slice %arg19[%select_n3A_204, %dma_wait3A_342, %dma_wait3A_343] : memref<2x80x128xf32, #tpu.memory_space<vmem>> -> memref<1x80x128xf32, #tpu.memory_space<vmem>>
      %dma_wait3A_345 = tpu.memref_squeeze %dma_wait3A_344 : memref<1x80x128xf32, #tpu.memory_space<vmem>> -> memref<80x128xf32, #tpu.memory_space<vmem>>
      %dma_wait3A_346 = arith.constant 0 : i32
      %dma_wait3A_347 = tpu.memref_slice %arg10[%add3A_291, %dma_wait3A_346] : memref<320000x128xf32, #tpu.memory_space<hbm>> -> memref<80x128xf32, #tpu.memory_space<hbm>>
      tpu.wait_dma2 semaphore(%dma_wait3A_341 : memref<!tpu.dma_semaphore, #tpu.memory_space<semaphore_mem>>) src(%dma_wait3A_347 : memref<80x128xf32, #tpu.memory_space<hbm>>) dst(%dma_wait3A_345 : memref<80x128xf32, #tpu.memory_space<vmem>>)
      %dma_start3A_348 = arith.constant 0 : i32
      %dma_start3A_349 = tpu.memref_slice %arg13[%select_n3A_204, %dma_start3A_348] : memref<2x80xi32, #tpu.memory_space<vmem>> -> memref<1x80xi32, #tpu.memory_space<vmem>>
      %dma_start3A_350 = tpu.memref_squeeze %dma_start3A_349 : memref<1x80xi32, #tpu.memory_space<vmem>> -> memref<80xi32, #tpu.memory_space<vmem>>
      %dma_start3A_351 = arith.constant 0 : i32
      %dma_start3A_352 = tpu.memref_slice %arg5[%dma_start3A_351] : memref<10000xf32, #tpu.memory_space<hbm>> -> memref<10000xf32, #tpu.memory_space<hbm>>
      tpu.enqueue_indirect_dma source(%dma_start3A_352 : memref<10000xf32, #tpu.memory_space<hbm>>) target(%arg16 : memref<80xf32, #tpu.memory_space<vmem>>) offsets(%dma_start3A_350 : memref<80xi32, #tpu.memory_space<vmem>>) semaphore(%arg23 : memref<!tpu.dma_semaphore, #tpu.memory_space<semaphore_mem>>)
      %dma_start3A_353 = arith.constant 0 : i32
      %dma_start3A_354 = tpu.memref_slice %arg14[%select_n3A_204, %dma_start3A_353] : memref<2x80xi32, #tpu.memory_space<vmem>> -> memref<1x80xi32, #tpu.memory_space<vmem>>
      %dma_start3A_355 = tpu.memref_squeeze %dma_start3A_354 : memref<1x80xi32, #tpu.memory_space<vmem>> -> memref<80xi32, #tpu.memory_space<vmem>>
      %dma_start3A_356 = arith.constant 0 : i32
      %dma_start3A_357 = tpu.memref_slice %arg6[%dma_start3A_356] : memref<10000xf32, #tpu.memory_space<hbm>> -> memref<10000xf32, #tpu.memory_space<hbm>>
      tpu.enqueue_indirect_dma source(%dma_start3A_357 : memref<10000xf32, #tpu.memory_space<hbm>>) target(%arg17 : memref<80xf32, #tpu.memory_space<vmem>>) offsets(%dma_start3A_355 : memref<80xi32, #tpu.memory_space<vmem>>) semaphore(%arg23 : memref<!tpu.dma_semaphore, #tpu.memory_space<semaphore_mem>>)
      %dma_start3A_358 = arith.constant 0 : i32
      %dma_start3A_359 = tpu.memref_slice %arg13[%select_n3A_204, %dma_start3A_358] : memref<2x80xi32, #tpu.memory_space<vmem>> -> memref<1x80xi32, #tpu.memory_space<vmem>>
      %dma_start3A_360 = tpu.memref_squeeze %dma_start3A_359 : memref<1x80xi32, #tpu.memory_space<vmem>> -> memref<80xi32, #tpu.memory_space<vmem>>
      %dma_start3A_361 = arith.constant 0 : i32
      %dma_start3A_362 = arith.constant 0 : i32
      %dma_start3A_363 = tpu.memref_slice %arg9[%dma_start3A_361, %dma_start3A_362] : memref<10000x144xf32, #tpu.memory_space<hbm>> -> memref<10000x144xf32, #tpu.memory_space<hbm>>
      tpu.enqueue_indirect_dma source(%dma_start3A_363 : memref<10000x144xf32, #tpu.memory_space<hbm>>) target(%arg20 : memref<80x144xf32, #tpu.memory_space<vmem>>) offsets(%dma_start3A_360 : memref<80xi32, #tpu.memory_space<vmem>>) semaphore(%arg24 : memref<!tpu.dma_semaphore, #tpu.memory_space<semaphore_mem>>)
      %dma_start3A_364 = arith.constant 0 : i32
      %dma_start3A_365 = arith.constant 0 : i32
      %dma_start3A_366 = tpu.memref_slice %arg19[%select_n3A_204, %dma_start3A_364, %dma_start3A_365] : memref<2x80x128xf32, #tpu.memory_space<vmem>> -> memref<1x80x128xf32, #tpu.memory_space<vmem>>
      %dma_start3A_367 = tpu.memref_squeeze %dma_start3A_366 : memref<1x80x128xf32, #tpu.memory_space<vmem>> -> memref<80x128xf32, #tpu.memory_space<vmem>>
      %dma_start3A_368 = arith.constant 0 : i32
      %dma_start3A_369 = tpu.memref_slice %arg13[%select_n3A_204, %dma_start3A_368] : memref<2x80xi32, #tpu.memory_space<vmem>> -> memref<1x80xi32, #tpu.memory_space<vmem>>
      %dma_start3A_370 = tpu.memref_squeeze %dma_start3A_369 : memref<1x80xi32, #tpu.memory_space<vmem>> -> memref<80xi32, #tpu.memory_space<vmem>>
      %dma_start3A_371 = arith.constant 0 : i32
      %dma_start3A_372 = arith.constant 0 : i32
      %dma_start3A_373 = tpu.memref_slice %arg7[%dma_start3A_371, %dma_start3A_372] : memref<10000x128xf32, #tpu.memory_space<hbm>> -> memref<10000x128xf32, #tpu.memory_space<hbm>>
      tpu.enqueue_indirect_dma source(%dma_start3A_373 : memref<10000x128xf32, #tpu.memory_space<hbm>>) target(%dma_start3A_367 : memref<80x128xf32, #tpu.memory_space<vmem>>) offsets(%dma_start3A_370 : memref<80xi32, #tpu.memory_space<vmem>>) semaphore(%arg25 : memref<!tpu.dma_semaphore, #tpu.memory_space<semaphore_mem>>) {add = true}
      %dma_start3A_374 = arith.constant 0 : i32
      %dma_start3A_375 = arith.constant 0 : i32
      %dma_start3A_376 = tpu.memref_slice %arg19[%select_n3A_204, %dma_start3A_374, %dma_start3A_375] : memref<2x80x128xf32, #tpu.memory_space<vmem>> -> memref<1x80x128xf32, #tpu.memory_space<vmem>>
      %dma_start3A_377 = tpu.memref_squeeze %dma_start3A_376 : memref<1x80x128xf32, #tpu.memory_space<vmem>> -> memref<80x128xf32, #tpu.memory_space<vmem>>
      %dma_start3A_378 = arith.constant 0 : i32
      %dma_start3A_379 = tpu.memref_slice %arg14[%select_n3A_204, %dma_start3A_378] : memref<2x80xi32, #tpu.memory_space<vmem>> -> memref<1x80xi32, #tpu.memory_space<vmem>>
      %dma_start3A_380 = tpu.memref_squeeze %dma_start3A_379 : memref<1x80xi32, #tpu.memory_space<vmem>> -> memref<80xi32, #tpu.memory_space<vmem>>
      %dma_start3A_381 = arith.constant 0 : i32
      %dma_start3A_382 = arith.constant 0 : i32
      %dma_start3A_383 = tpu.memref_slice %arg8[%dma_start3A_381, %dma_start3A_382] : memref<10000x128xf32, #tpu.memory_space<hbm>> -> memref<10000x128xf32, #tpu.memory_space<hbm>>
      tpu.enqueue_indirect_dma source(%dma_start3A_383 : memref<10000x128xf32, #tpu.memory_space<hbm>>) target(%dma_start3A_377 : memref<80x128xf32, #tpu.memory_space<vmem>>) offsets(%dma_start3A_380 : memref<80xi32, #tpu.memory_space<vmem>>) semaphore(%arg25 : memref<!tpu.dma_semaphore, #tpu.memory_space<semaphore_mem>>) {add = true}
      %dma_wait3A_384 = arith.constant 0 : i32
      %dma_wait3A_385 = tpu.memref_slice %arg13[%select_n3A_204, %dma_wait3A_384] : memref<2x80xi32, #tpu.memory_space<vmem>> -> memref<1x80xi32, #tpu.memory_space<vmem>>
      %dma_wait3A_386 = tpu.memref_squeeze %dma_wait3A_385 : memref<1x80xi32, #tpu.memory_space<vmem>> -> memref<80xi32, #tpu.memory_space<vmem>>
      %dma_wait3A_387 = arith.constant 0 : i32
      %dma_wait3A_388 = tpu.memref_slice %arg5[%dma_wait3A_387] : memref<10000xf32, #tpu.memory_space<hbm>> -> memref<10000xf32, #tpu.memory_space<hbm>>
      tpu.wait_indirect_dma semaphore(%arg23 : memref<!tpu.dma_semaphore, #tpu.memory_space<semaphore_mem>>) src(%dma_wait3A_388 : memref<10000xf32, #tpu.memory_space<hbm>>) dst(%arg16 : memref<80xf32, #tpu.memory_space<vmem>>)
      %dma_wait3A_389 = arith.constant 0 : i32
      %dma_wait3A_390 = tpu.memref_slice %arg14[%select_n3A_204, %dma_wait3A_389] : memref<2x80xi32, #tpu.memory_space<vmem>> -> memref<1x80xi32, #tpu.memory_space<vmem>>
      %dma_wait3A_391 = tpu.memref_squeeze %dma_wait3A_390 : memref<1x80xi32, #tpu.memory_space<vmem>> -> memref<80xi32, #tpu.memory_space<vmem>>
      %dma_wait3A_392 = arith.constant 0 : i32
      %dma_wait3A_393 = tpu.memref_slice %arg6[%dma_wait3A_392] : memref<10000xf32, #tpu.memory_space<hbm>> -> memref<10000xf32, #tpu.memory_space<hbm>>
      tpu.wait_indirect_dma semaphore(%arg23 : memref<!tpu.dma_semaphore, #tpu.memory_space<semaphore_mem>>) src(%dma_wait3A_393 : memref<10000xf32, #tpu.memory_space<hbm>>) dst(%arg17 : memref<80xf32, #tpu.memory_space<vmem>>)
      %get3A = arith.constant 0 : i32
      %get3A_394 = tpu.memref_slice %arg15[%select_n3A_204, %get3A] : memref<2x80xf32, #tpu.memory_space<vmem>> -> memref<1x80xf32, #tpu.memory_space<vmem>>
      %get3A_395 = tpu.memref_squeeze %get3A_394 : memref<1x80xf32, #tpu.memory_space<vmem>> -> memref<80xf32, #tpu.memory_space<vmem>>
      %get3A_396 = arith.constant 0 : index
      %get3A_397 = tpu.vector_load %get3A_395[%get3A_396] {strides = array<i32>} : memref<80xf32, #tpu.memory_space<vmem>>, vector<16xf32>,
      %get3A_398 = arith.constant 0 : index
      %get3A_399 = tpu.vector_load %arg16[%get3A_398] {strides = array<i32>} : memref<80xf32, #tpu.memory_space<vmem>>, vector<16xf32>,
      %add3A_400 = arith.addf %get3A_397, %get3A_399 : vector<16xf32>
      %get3A_401 = arith.constant 0 : index
      %get3A_402 = tpu.vector_load %arg17[%get3A_401] {strides = array<i32>} : memref<80xf32, #tpu.memory_space<vmem>>, vector<16xf32>,
      %add3A_403 = arith.addf %add3A_400, %get3A_402 : vector<16xf32>
      %ge3A = arith.constant 0.000000e+00 : f32
      %ge3A_404 = vector.broadcast %ge3A : f32 to vector<16xf32>
      %ge3A_405 = arith.cmpf oge, %add3A_403, %ge3A_404 : vector<16xf32>
      %mul3A_406 = arith.constant 0.00999999977 : f32
      %mul3A_407 = vector.broadcast %mul3A_406 : f32 to vector<16xf32>
      %mul3A_408 = arith.mulf %mul3A_407, %add3A_403 : vector<16xf32>
      %select_n3A_409 = arith.select %ge3A_405, %add3A_403, %mul3A_408 : vector<16xi1>, vector<16xf32>
      %exp3A = math.exp %select_n3A_409 : vector<16xf32>
      %swap3A = arith.constant 0 : index
      %swap3A_410 = tpu.vector_load %arg18[%swap3A] {strides = array<i32>} : memref<80xf32, #tpu.memory_space<vmem>>, vector<16xf32>,
      tpu.vector_store %arg18[%swap3A], %exp3A {strides = array<i32>} : memref<80xf32, #tpu.memory_space<vmem>>, vector<16xf32>,
      %get3A_411 = arith.constant 0 : i32
      %get3A_412 = tpu.memref_slice %arg15[%select_n3A_204, %get3A_411] : memref<2x80xf32, #tpu.memory_space<vmem>> -> memref<1x80xf32, #tpu.memory_space<vmem>>
      %get3A_413 = tpu.memref_squeeze %get3A_412 : memref<1x80xf32, #tpu.memory_space<vmem>> -> memref<80xf32, #tpu.memory_space<vmem>>
      %get3A_414 = arith.constant 16 : index
      %get3A_415 = tpu.vector_load %get3A_413[%get3A_414] {strides = array<i32>} : memref<80xf32, #tpu.memory_space<vmem>>, vector<16xf32>,
      %get3A_416 = arith.constant 16 : index
      %get3A_417 = tpu.vector_load %arg16[%get3A_416] {strides = array<i32>} : memref<80xf32, #tpu.memory_space<vmem>>, vector<16xf32>,
      %add3A_418 = arith.addf %get3A_415, %get3A_417 : vector<16xf32>
      %get3A_419 = arith.constant 16 : index
      %get3A_420 = tpu.vector_load %arg17[%get3A_419] {strides = array<i32>} : memref<80xf32, #tpu.memory_space<vmem>>, vector<16xf32>,
      %add3A_421 = arith.addf %add3A_418, %get3A_420 : vector<16xf32>
      %ge3A_422 = arith.constant 0.000000e+00 : f32
      %ge3A_423 = vector.broadcast %ge3A_422 : f32 to vector<16xf32>
      %ge3A_424 = arith.cmpf oge, %add3A_421, %ge3A_423 : vector<16xf32>
      %mul3A_425 = arith.constant 0.00999999977 : f32
      %mul3A_426 = vector.broadcast %mul3A_425 : f32 to vector<16xf32>
      %mul3A_427 = arith.mulf %mul3A_426, %add3A_421 : vector<16xf32>
      %select_n3A_428 = arith.select %ge3A_424, %add3A_421, %mul3A_427 : vector<16xi1>, vector<16xf32>
      %exp3A_429 = math.exp %select_n3A_428 : vector<16xf32>
      %swap3A_430 = arith.constant 16 : index
      %swap3A_431 = tpu.vector_load %arg18[%swap3A_430] {strides = array<i32>} : memref<80xf32, #tpu.memory_space<vmem>>, vector<16xf32>,
      tpu.vector_store %arg18[%swap3A_430], %exp3A_429 {strides = array<i32>} : memref<80xf32, #tpu.memory_space<vmem>>, vector<16xf32>,
      %get3A_432 = arith.constant 0 : i32
      %get3A_433 = tpu.memref_slice %arg15[%select_n3A_204, %get3A_432] : memref<2x80xf32, #tpu.memory_space<vmem>> -> memref<1x80xf32, #tpu.memory_space<vmem>>
      %get3A_434 = tpu.memref_squeeze %get3A_433 : memref<1x80xf32, #tpu.memory_space<vmem>> -> memref<80xf32, #tpu.memory_space<vmem>>
      %get3A_435 = arith.constant 32 : index
      %get3A_436 = tpu.vector_load %get3A_434[%get3A_435] {strides = array<i32>} : memref<80xf32, #tpu.memory_space<vmem>>, vector<16xf32>,
      %get3A_437 = arith.constant 32 : index
      %get3A_438 = tpu.vector_load %arg16[%get3A_437] {strides = array<i32>} : memref<80xf32, #tpu.memory_space<vmem>>, vector<16xf32>,
      %add3A_439 = arith.addf %get3A_436, %get3A_438 : vector<16xf32>
      %get3A_440 = arith.constant 32 : index
      %get3A_441 = tpu.vector_load %arg17[%get3A_440] {strides = array<i32>} : memref<80xf32, #tpu.memory_space<vmem>>, vector<16xf32>,
      %add3A_442 = arith.addf %add3A_439, %get3A_441 : vector<16xf32>
      %ge3A_443 = arith.constant 0.000000e+00 : f32
      %ge3A_444 = vector.broadcast %ge3A_443 : f32 to vector<16xf32>
      %ge3A_445 = arith.cmpf oge, %add3A_442, %ge3A_444 : vector<16xf32>
      %mul3A_446 = arith.constant 0.00999999977 : f32
      %mul3A_447 = vector.broadcast %mul3A_446 : f32 to vector<16xf32>
      %mul3A_448 = arith.mulf %mul3A_447, %add3A_442 : vector<16xf32>
      %select_n3A_449 = arith.select %ge3A_445, %add3A_442, %mul3A_448 : vector<16xi1>, vector<16xf32>
      %exp3A_450 = math.exp %select_n3A_449 : vector<16xf32>
      %swap3A_451 = arith.constant 32 : index
      %swap3A_452 = tpu.vector_load %arg18[%swap3A_451] {strides = array<i32>} : memref<80xf32, #tpu.memory_space<vmem>>, vector<16xf32>,
      tpu.vector_store %arg18[%swap3A_451], %exp3A_450 {strides = array<i32>} : memref<80xf32, #tpu.memory_space<vmem>>, vector<16xf32>,
      %get3A_453 = arith.constant 0 : i32
      %get3A_454 = tpu.memref_slice %arg15[%select_n3A_204, %get3A_453] : memref<2x80xf32, #tpu.memory_space<vmem>> -> memref<1x80xf32, #tpu.memory_space<vmem>>
      %get3A_455 = tpu.memref_squeeze %get3A_454 : memref<1x80xf32, #tpu.memory_space<vmem>> -> memref<80xf32, #tpu.memory_space<vmem>>
      %get3A_456 = arith.constant 48 : index
      %get3A_457 = tpu.vector_load %get3A_455[%get3A_456] {strides = array<i32>} : memref<80xf32, #tpu.memory_space<vmem>>, vector<16xf32>,
      %get3A_458 = arith.constant 48 : index
      %get3A_459 = tpu.vector_load %arg16[%get3A_458] {strides = array<i32>} : memref<80xf32, #tpu.memory_space<vmem>>, vector<16xf32>,
      %add3A_460 = arith.addf %get3A_457, %get3A_459 : vector<16xf32>
      %get3A_461 = arith.constant 48 : index
      %get3A_462 = tpu.vector_load %arg17[%get3A_461] {strides = array<i32>} : memref<80xf32, #tpu.memory_space<vmem>>, vector<16xf32>,
      %add3A_463 = arith.addf %add3A_460, %get3A_462 : vector<16xf32>
      %ge3A_464 = arith.constant 0.000000e+00 : f32
      %ge3A_465 = vector.broadcast %ge3A_464 : f32 to vector<16xf32>
      %ge3A_466 = arith.cmpf oge, %add3A_463, %ge3A_465 : vector<16xf32>
      %mul3A_467 = arith.constant 0.00999999977 : f32
      %mul3A_468 = vector.broadcast %mul3A_467 : f32 to vector<16xf32>
      %mul3A_469 = arith.mulf %mul3A_468, %add3A_463 : vector<16xf32>
      %select_n3A_470 = arith.select %ge3A_466, %add3A_463, %mul3A_469 : vector<16xi1>, vector<16xf32>
      %exp3A_471 = math.exp %select_n3A_470 : vector<16xf32>
      %swap3A_472 = arith.constant 48 : index
      %swap3A_473 = tpu.vector_load %arg18[%swap3A_472] {strides = array<i32>} : memref<80xf32, #tpu.memory_space<vmem>>, vector<16xf32>,
      tpu.vector_store %arg18[%swap3A_472], %exp3A_471 {strides = array<i32>} : memref<80xf32, #tpu.memory_space<vmem>>, vector<16xf32>,
      %get3A_474 = arith.constant 0 : i32
      %get3A_475 = tpu.memref_slice %arg15[%select_n3A_204, %get3A_474] : memref<2x80xf32, #tpu.memory_space<vmem>> -> memref<1x80xf32, #tpu.memory_space<vmem>>
      %get3A_476 = tpu.memref_squeeze %get3A_475 : memref<1x80xf32, #tpu.memory_space<vmem>> -> memref<80xf32, #tpu.memory_space<vmem>>
      %get3A_477 = arith.constant 64 : index
      %get3A_478 = tpu.vector_load %get3A_476[%get3A_477] {strides = array<i32>} : memref<80xf32, #tpu.memory_space<vmem>>, vector<16xf32>,
      %get3A_479 = arith.constant 64 : index
      %get3A_480 = tpu.vector_load %arg16[%get3A_479] {strides = array<i32>} : memref<80xf32, #tpu.memory_space<vmem>>, vector<16xf32>,
      %add3A_481 = arith.addf %get3A_478, %get3A_480 : vector<16xf32>
      %get3A_482 = arith.constant 64 : index
      %get3A_483 = tpu.vector_load %arg17[%get3A_482] {strides = array<i32>} : memref<80xf32, #tpu.memory_space<vmem>>, vector<16xf32>,
      %add3A_484 = arith.addf %add3A_481, %get3A_483 : vector<16xf32>
      %ge3A_485 = arith.constant 0.000000e+00 : f32
      %ge3A_486 = vector.broadcast %ge3A_485 : f32 to vector<16xf32>
      %ge3A_487 = arith.cmpf oge, %add3A_484, %ge3A_486 : vector<16xf32>
      %mul3A_488 = arith.constant 0.00999999977 : f32
      %mul3A_489 = vector.broadcast %mul3A_488 : f32 to vector<16xf32>
      %mul3A_490 = arith.mulf %mul3A_489, %add3A_484 : vector<16xf32>
      %select_n3A_491 = arith.select %ge3A_487, %add3A_484, %mul3A_490 : vector<16xi1>, vector<16xf32>
      %exp3A_492 = math.exp %select_n3A_491 : vector<16xf32>
      %swap3A_493 = arith.constant 64 : index
      %swap3A_494 = tpu.vector_load %arg18[%swap3A_493] {strides = array<i32>} : memref<80xf32, #tpu.memory_space<vmem>>, vector<16xf32>,
      tpu.vector_store %arg18[%swap3A_493], %exp3A_492 {strides = array<i32>} : memref<80xf32, #tpu.memory_space<vmem>>, vector<16xf32>,
      %dma_wait3A_495 = arith.constant 0 : i32
      %dma_wait3A_496 = tpu.memref_slice %arg13[%select_n3A_204, %dma_wait3A_495] : memref<2x80xi32, #tpu.memory_space<vmem>> -> memref<1x80xi32, #tpu.memory_space<vmem>>
      %dma_wait3A_497 = tpu.memref_squeeze %dma_wait3A_496 : memref<1x80xi32, #tpu.memory_space<vmem>> -> memref<80xi32, #tpu.memory_space<vmem>>
      %dma_wait3A_498 = arith.constant 0 : i32
      %dma_wait3A_499 = arith.constant 0 : i32
      %dma_wait3A_500 = tpu.memref_slice %arg9[%dma_wait3A_498, %dma_wait3A_499] : memref<10000x144xf32, #tpu.memory_space<hbm>> -> memref<10000x144xf32, #tpu.memory_space<hbm>>
      tpu.wait_indirect_dma semaphore(%arg24 : memref<!tpu.dma_semaphore, #tpu.memory_space<semaphore_mem>>) src(%dma_wait3A_500 : memref<10000x144xf32, #tpu.memory_space<hbm>>) dst(%arg20 : memref<80x144xf32, #tpu.memory_space<vmem>>)
      %scan3A_501 = arith.constant 0 : i32
      %scan3A_502 = arith.constant 0 : i32
      %scan3A_503 = arith.constant 80 : i32
      %scan3A_504 = arith.addi %scan3A_502, %scan3A_503 : i32
      %scan3A_505 = arith.constant 1 : i32
      %scan3A_506 = scf.for %scan3A_558 = %scan3A_502 to %scan3A_504 step %scan3A_505 iter_args(%scan3A_559 = %scan3A_501) -> (i32)  : i32 {
        %broadcast_in_dim3A = vector.broadcast %scan3A_558 : i32 to vector<16xi32>
        %gather3A = tpu.vector_load_idx %arg18[%broadcast_in_dim3A] : memref<80xf32, #tpu.memory_space<vmem>>[vector<16xi32>], vector<16xf32>,
        %get3A_560 = arith.index_cast %scan3A_558 : i32 to index
        %get3A_561 = arith.constant 0 : index
        %get3A_562 = tpu.vector_load %arg20[%get3A_560, %get3A_561] {strides = array<i32>} : memref<80x144xf32, #tpu.memory_space<vmem>>, vector<16xf32>,
        %mul3A_563 = arith.mulf %get3A_562, %gather3A : vector<16xf32>
        %swap3A_564 = arith.index_cast %scan3A_558 : i32 to index
        %swap3A_565 = arith.constant 0 : index
        %swap3A_566 = tpu.vector_load %arg20[%swap3A_564, %swap3A_565] {strides = array<i32>} : memref<80x144xf32, #tpu.memory_space<vmem>>, vector<16xf32>,
        tpu.vector_store %arg20[%swap3A_564, %swap3A_565], %mul3A_563 {strides = array<i32>} : memref<80x144xf32, #tpu.memory_space<vmem>>, vector<16xf32>,
        %get3A_567 = arith.index_cast %scan3A_558 : i32 to index
        %get3A_568 = arith.constant 16 : index
        %get3A_569 = tpu.vector_load %arg20[%get3A_567, %get3A_568] {strides = array<i32>} : memref<80x144xf32, #tpu.memory_space<vmem>>, vector<16xf32>,
        %mul3A_570 = arith.mulf %get3A_569, %gather3A : vector<16xf32>
        %swap3A_571 = arith.index_cast %scan3A_558 : i32 to index
        %swap3A_572 = arith.constant 16 : index
        %swap3A_573 = tpu.vector_load %arg20[%swap3A_571, %swap3A_572] {strides = array<i32>} : memref<80x144xf32, #tpu.memory_space<vmem>>, vector<16xf32>,
        tpu.vector_store %arg20[%swap3A_571, %swap3A_572], %mul3A_570 {strides = array<i32>} : memref<80x144xf32, #tpu.memory_space<vmem>>, vector<16xf32>,
        %get3A_574 = arith.index_cast %scan3A_558 : i32 to index
        %get3A_575 = arith.constant 32 : index
        %get3A_576 = tpu.vector_load %arg20[%get3A_574, %get3A_575] {strides = array<i32>} : memref<80x144xf32, #tpu.memory_space<vmem>>, vector<16xf32>,
        %mul3A_577 = arith.mulf %get3A_576, %gather3A : vector<16xf32>
        %swap3A_578 = arith.index_cast %scan3A_558 : i32 to index
        %swap3A_579 = arith.constant 32 : index
        %swap3A_580 = tpu.vector_load %arg20[%swap3A_578, %swap3A_579] {strides = array<i32>} : memref<80x144xf32, #tpu.memory_space<vmem>>, vector<16xf32>,
        tpu.vector_store %arg20[%swap3A_578, %swap3A_579], %mul3A_577 {strides = array<i32>} : memref<80x144xf32, #tpu.memory_space<vmem>>, vector<16xf32>,
        %get3A_581 = arith.index_cast %scan3A_558 : i32 to index
        %get3A_582 = arith.constant 48 : index
        %get3A_583 = tpu.vector_load %arg20[%get3A_581, %get3A_582] {strides = array<i32>} : memref<80x144xf32, #tpu.memory_space<vmem>>, vector<16xf32>,
        %mul3A_584 = arith.mulf %get3A_583, %gather3A : vector<16xf32>
        %swap3A_585 = arith.index_cast %scan3A_558 : i32 to index
        %swap3A_586 = arith.constant 48 : index
        %swap3A_587 = tpu.vector_load %arg20[%swap3A_585, %swap3A_586] {strides = array<i32>} : memref<80x144xf32, #tpu.memory_space<vmem>>, vector<16xf32>,
        tpu.vector_store %arg20[%swap3A_585, %swap3A_586], %mul3A_584 {strides = array<i32>} : memref<80x144xf32, #tpu.memory_space<vmem>>, vector<16xf32>,
        %get3A_588 = arith.index_cast %scan3A_558 : i32 to index
        %get3A_589 = arith.constant 64 : index
        %get3A_590 = tpu.vector_load %arg20[%get3A_588, %get3A_589] {strides = array<i32>} : memref<80x144xf32, #tpu.memory_space<vmem>>, vector<16xf32>,
        %mul3A_591 = arith.mulf %get3A_590, %gather3A : vector<16xf32>
        %swap3A_592 = arith.index_cast %scan3A_558 : i32 to index
        %swap3A_593 = arith.constant 64 : index
        %swap3A_594 = tpu.vector_load %arg20[%swap3A_592, %swap3A_593] {strides = array<i32>} : memref<80x144xf32, #tpu.memory_space<vmem>>, vector<16xf32>,
        tpu.vector_store %arg20[%swap3A_592, %swap3A_593], %mul3A_591 {strides = array<i32>} : memref<80x144xf32, #tpu.memory_space<vmem>>, vector<16xf32>,
        %get3A_595 = arith.index_cast %scan3A_558 : i32 to index
        %get3A_596 = arith.constant 80 : index
        %get3A_597 = tpu.vector_load %arg20[%get3A_595, %get3A_596] {strides = array<i32>} : memref<80x144xf32, #tpu.memory_space<vmem>>, vector<16xf32>,
        %mul3A_598 = arith.mulf %get3A_597, %gather3A : vector<16xf32>
        %swap3A_599 = arith.index_cast %scan3A_558 : i32 to index
        %swap3A_600 = arith.constant 80 : index
        %swap3A_601 = tpu.vector_load %arg20[%swap3A_599, %swap3A_600] {strides = array<i32>} : memref<80x144xf32, #tpu.memory_space<vmem>>, vector<16xf32>,
        tpu.vector_store %arg20[%swap3A_599, %swap3A_600], %mul3A_598 {strides = array<i32>} : memref<80x144xf32, #tpu.memory_space<vmem>>, vector<16xf32>,
        %get3A_602 = arith.index_cast %scan3A_558 : i32 to index
        %get3A_603 = arith.constant 96 : index
        %get3A_604 = tpu.vector_load %arg20[%get3A_602, %get3A_603] {strides = array<i32>} : memref<80x144xf32, #tpu.memory_space<vmem>>, vector<16xf32>,
        %mul3A_605 = arith.mulf %get3A_604, %gather3A : vector<16xf32>
        %swap3A_606 = arith.index_cast %scan3A_558 : i32 to index
        %swap3A_607 = arith.constant 96 : index
        %swap3A_608 = tpu.vector_load %arg20[%swap3A_606, %swap3A_607] {strides = array<i32>} : memref<80x144xf32, #tpu.memory_space<vmem>>, vector<16xf32>,
        tpu.vector_store %arg20[%swap3A_606, %swap3A_607], %mul3A_605 {strides = array<i32>} : memref<80x144xf32, #tpu.memory_space<vmem>>, vector<16xf32>,
        %get3A_609 = arith.index_cast %scan3A_558 : i32 to index
        %get3A_610 = arith.constant 112 : index
        %get3A_611 = tpu.vector_load %arg20[%get3A_609, %get3A_610] {strides = array<i32>} : memref<80x144xf32, #tpu.memory_space<vmem>>, vector<16xf32>,
        %mul3A_612 = arith.mulf %get3A_611, %gather3A : vector<16xf32>
        %swap3A_613 = arith.index_cast %scan3A_558 : i32 to index
        %swap3A_614 = arith.constant 112 : index
        %swap3A_615 = tpu.vector_load %arg20[%swap3A_613, %swap3A_614] {strides = array<i32>} : memref<80x144xf32, #tpu.memory_space<vmem>>, vector<16xf32>,
        tpu.vector_store %arg20[%swap3A_613, %swap3A_614], %mul3A_612 {strides = array<i32>} : memref<80x144xf32, #tpu.memory_space<vmem>>, vector<16xf32>,
        %get3A_616 = arith.index_cast %scan3A_558 : i32 to index
        %get3A_617 = arith.constant 128 : index
        %get3A_618 = tpu.vector_load %arg20[%get3A_616, %get3A_617] {strides = array<i32>} : memref<80x144xf32, #tpu.memory_space<vmem>>, vector<16xf32>,
        %mul3A_619 = arith.mulf %get3A_618, %gather3A : vector<16xf32>
        %swap3A_620 = arith.index_cast %scan3A_558 : i32 to index
        %swap3A_621 = arith.constant 128 : index
        %swap3A_622 = tpu.vector_load %arg20[%swap3A_620, %swap3A_621] {strides = array<i32>} : memref<80x144xf32, #tpu.memory_space<vmem>>, vector<16xf32>,
        tpu.vector_store %arg20[%swap3A_620, %swap3A_621], %mul3A_619 {strides = array<i32>} : memref<80x144xf32, #tpu.memory_space<vmem>>, vector<16xf32>,
        %scan3A_623 = arith.constant 0 : i32
        scf.yield %scan3A_623 : i32
      }
      %scan3A_507 = arith.constant 80 : i32
      %dma_wait3A_508 = arith.constant 0 : i32
      %dma_wait3A_509 = arith.constant 0 : i32
      %dma_wait3A_510 = tpu.memref_slice %arg19[%select_n3A_204, %dma_wait3A_508, %dma_wait3A_509] : memref<2x80x128xf32, #tpu.memory_space<vmem>> -> memref<1x80x128xf32, #tpu.memory_space<vmem>>
      %dma_wait3A_511 = tpu.memref_squeeze %dma_wait3A_510 : memref<1x80x128xf32, #tpu.memory_space<vmem>> -> memref<80x128xf32, #tpu.memory_space<vmem>>
      %dma_wait3A_512 = arith.constant 0 : i32
      %dma_wait3A_513 = tpu.memref_slice %arg13[%select_n3A_204, %dma_wait3A_512] : memref<2x80xi32, #tpu.memory_space<vmem>> -> memref<1x80xi32, #tpu.memory_space<vmem>>
      %dma_wait3A_514 = tpu.memref_squeeze %dma_wait3A_513 : memref<1x80xi32, #tpu.memory_space<vmem>> -> memref<80xi32, #tpu.memory_space<vmem>>
      %dma_wait3A_515 = arith.constant 0 : i32
      %dma_wait3A_516 = arith.constant 0 : i32
      %dma_wait3A_517 = tpu.memref_slice %arg7[%dma_wait3A_515, %dma_wait3A_516] : memref<10000x128xf32, #tpu.memory_space<hbm>> -> memref<10000x128xf32, #tpu.memory_space<hbm>>
      tpu.wait_indirect_dma semaphore(%arg25 : memref<!tpu.dma_semaphore, #tpu.memory_space<semaphore_mem>>) src(%dma_wait3A_517 : memref<10000x128xf32, #tpu.memory_space<hbm>>) dst(%dma_wait3A_511 : memref<80x128xf32, #tpu.memory_space<vmem>>)
      %dma_wait3A_518 = arith.constant 0 : i32
      %dma_wait3A_519 = arith.constant 0 : i32
      %dma_wait3A_520 = tpu.memref_slice %arg19[%select_n3A_204, %dma_wait3A_518, %dma_wait3A_519] : memref<2x80x128xf32, #tpu.memory_space<vmem>> -> memref<1x80x128xf32, #tpu.memory_space<vmem>>
      %dma_wait3A_521 = tpu.memref_squeeze %dma_wait3A_520 : memref<1x80x128xf32, #tpu.memory_space<vmem>> -> memref<80x128xf32, #tpu.memory_space<vmem>>
      %dma_wait3A_522 = arith.constant 0 : i32
      %dma_wait3A_523 = tpu.memref_slice %arg14[%select_n3A_204, %dma_wait3A_522] : memref<2x80xi32, #tpu.memory_space<vmem>> -> memref<1x80xi32, #tpu.memory_space<vmem>>
      %dma_wait3A_524 = tpu.memref_squeeze %dma_wait3A_523 : memref<1x80xi32, #tpu.memory_space<vmem>> -> memref<80xi32, #tpu.memory_space<vmem>>
      %dma_wait3A_525 = arith.constant 0 : i32
      %dma_wait3A_526 = arith.constant 0 : i32
      %dma_wait3A_527 = tpu.memref_slice %arg8[%dma_wait3A_525, %dma_wait3A_526] : memref<10000x128xf32, #tpu.memory_space<hbm>> -> memref<10000x128xf32, #tpu.memory_space<hbm>>
      tpu.wait_indirect_dma semaphore(%arg25 : memref<!tpu.dma_semaphore, #tpu.memory_space<semaphore_mem>>) src(%dma_wait3A_527 : memref<10000x128xf32, #tpu.memory_space<hbm>>) dst(%dma_wait3A_521 : memref<80x128xf32, #tpu.memory_space<vmem>>)
      %mul3A_528 = arith.constant 10000 : i32
      %mul3A_529 = arith.muli %add3A, %mul3A_528 : i32
      %mul3A_530 = arith.constant 80 : i32
      %mul3A_531 = arith.muli %scan3A_194, %mul3A_530 : i32
      %add3A_532 = arith.addi %mul3A_529, %mul3A_531 : i32
      %dma_start3A_533 = arith.constant 0 : i32
      %dma_start3A_534 = arith.constant 0 : i32
      %dma_start3A_535 = tpu.memref_slice %arg19[%select_n3A_204, %dma_start3A_533, %dma_start3A_534] : memref<2x80x128xf32, #tpu.memory_space<vmem>> -> memref<1x80x128xf32, #tpu.memory_space<vmem>>
      %dma_start3A_536 = tpu.memref_squeeze %dma_start3A_535 : memref<1x80x128xf32, #tpu.memory_space<vmem>> -> memref<80x128xf32, #tpu.memory_space<vmem>>
      %dma_start3A_537 = arith.constant 0 : i32
      %dma_start3A_538 = tpu.memref_slice %arg11[%add3A_532, %dma_start3A_537] : memref<320000x128xf32, #tpu.memory_space<hbm>> -> memref<80x128xf32, #tpu.memory_space<hbm>>
      %dma_start3A_539 = arith.constant 0 : i32
      %dma_start3A_540 = tpu.memref_slice %arg11[%add3A_532, %dma_start3A_539] : memref<320000x128xf32, #tpu.memory_space<hbm>> -> memref<80x128xf32, #tpu.memory_space<hbm>>
      %dma_start3A_541 = arith.constant 0 : i32
      %dma_start3A_542 = arith.constant 0 : i32
      %dma_start3A_543 = tpu.memref_slice %arg19[%select_n3A_204, %dma_start3A_541, %dma_start3A_542] : memref<2x80x128xf32, #tpu.memory_space<vmem>> -> memref<1x80x128xf32, #tpu.memory_space<vmem>>
      %dma_start3A_544 = tpu.memref_squeeze %dma_start3A_543 : memref<1x80x128xf32, #tpu.memory_space<vmem>> -> memref<80x128xf32, #tpu.memory_space<vmem>>
      tpu.enqueue_dma source(%dma_start3A_544 : memref<80x128xf32, #tpu.memory_space<vmem>>) target(%dma_start3A_540 : memref<80x128xf32, #tpu.memory_space<hbm>>) target_semaphore(%arg25 : memref<!tpu.dma_semaphore, #tpu.memory_space<semaphore_mem>>)
      "tpu.region"() ({
        %run_scoped3A = tpu.sem_alloc : memref<!tpu.dma_semaphore, #tpu.memory_space<semaphore_mem>>
        %dma_start3A_558 = arith.constant 0 : i32
        %dma_start3A_559 = tpu.memref_slice %arg14[%select_n3A_204, %dma_start3A_558] : memref<2x80xi32, #tpu.memory_space<vmem>> -> memref<1x80xi32, #tpu.memory_space<vmem>>
        %dma_start3A_560 = tpu.memref_squeeze %dma_start3A_559 : memref<1x80xi32, #tpu.memory_space<vmem>> -> memref<80xi32, #tpu.memory_space<vmem>>
        %dma_start3A_561 = arith.constant 0 : i32
        %dma_start3A_562 = arith.constant 0 : i32
        %dma_start3A_563 = tpu.memref_slice %arg21[%dma_start3A_561, %dma_start3A_562] : memref<10000x144xf32, #tpu.memory_space<vmem_shared>> -> memref<10000x144xf32, #tpu.memory_space<vmem_shared>>
        tpu.enqueue_indirect_dma source(%arg20 : memref<80x144xf32, #tpu.memory_space<vmem>>) target(%dma_start3A_563 : memref<10000x144xf32, #tpu.memory_space<vmem_shared>>) offsets(%dma_start3A_560 : memref<80xi32, #tpu.memory_space<vmem>>) semaphore(%run_scoped3A : memref<!tpu.dma_semaphore, #tpu.memory_space<semaphore_mem>>) {add = true}
        %dma_wait3A_564 = arith.constant 0 : i32
        %dma_wait3A_565 = tpu.memref_slice %arg14[%select_n3A_204, %dma_wait3A_564] : memref<2x80xi32, #tpu.memory_space<vmem>> -> memref<1x80xi32, #tpu.memory_space<vmem>>
        %dma_wait3A_566 = tpu.memref_squeeze %dma_wait3A_565 : memref<1x80xi32, #tpu.memory_space<vmem>> -> memref<80xi32, #tpu.memory_space<vmem>>
        %dma_wait3A_567 = arith.constant 0 : i32
        %dma_wait3A_568 = arith.constant 0 : i32
        %dma_wait3A_569 = tpu.memref_slice %arg21[%dma_wait3A_567, %dma_wait3A_568] : memref<10000x144xf32, #tpu.memory_space<vmem_shared>> -> memref<10000x144xf32, #tpu.memory_space<vmem_shared>>
        tpu.wait_indirect_dma semaphore(%run_scoped3A : memref<!tpu.dma_semaphore, #tpu.memory_space<semaphore_mem>>) src(%arg20 : memref<80x144xf32, #tpu.memory_space<vmem>>) dst(%dma_wait3A_569 : memref<10000x144xf32, #tpu.memory_space<vmem_shared>>)
        tpu.yield
      }) : () -> ()
      %dma_wait3A_545 = arith.constant 0 : i32
      %dma_wait3A_546 = arith.constant 0 : i32
      %dma_wait3A_547 = tpu.memref_slice %arg19[%select_n3A_204, %dma_wait3A_545, %dma_wait3A_546] : memref<2x80x128xf32, #tpu.memory_space<vmem>> -> memref<1x80x128xf32, #tpu.memory_space<vmem>>
      %dma_wait3A_548 = tpu.memref_squeeze %dma_wait3A_547 : memref<1x80x128xf32, #tpu.memory_space<vmem>> -> memref<80x128xf32, #tpu.memory_space<vmem>>
      %dma_wait3A_549 = arith.constant 0 : i32
      %dma_wait3A_550 = tpu.memref_slice %arg11[%add3A_532, %dma_wait3A_549] : memref<320000x128xf32, #tpu.memory_space<hbm>> -> memref<80x128xf32, #tpu.memory_space<hbm>>
      %dma_wait3A_551 = arith.constant 0 : i32
      %dma_wait3A_552 = tpu.memref_slice %arg11[%add3A_532, %dma_wait3A_551] : memref<320000x128xf32, #tpu.memory_space<hbm>> -> memref<80x128xf32, #tpu.memory_space<hbm>>
      %dma_wait3A_553 = arith.constant 0 : i32
      %dma_wait3A_554 = arith.constant 0 : i32
      %dma_wait3A_555 = tpu.memref_slice %arg19[%select_n3A_204, %dma_wait3A_553, %dma_wait3A_554] : memref<2x80x128xf32, #tpu.memory_space<vmem>> -> memref<1x80x128xf32, #tpu.memory_space<vmem>>
      %dma_wait3A_556 = tpu.memref_squeeze %dma_wait3A_555 : memref<1x80x128xf32, #tpu.memory_space<vmem>> -> memref<80x128xf32, #tpu.memory_space<vmem>>
      tpu.wait_dma2 semaphore(%arg25 : memref<!tpu.dma_semaphore, #tpu.memory_space<semaphore_mem>>) src(%dma_wait3A_556 : memref<80x128xf32, #tpu.memory_space<vmem>>) dst(%dma_wait3A_552 : memref<80x128xf32, #tpu.memory_space<hbm>>)
      %scan3A_557 = arith.constant 0 : i32
      scf.yield %scan3A_557 : i32
    }
    %scan3A_115 = arith.constant 125 : i32
    %mul3A_116 = arith.constant 10000 : i32
    %mul3A_117 = arith.muli %add3A, %mul3A_116 : i32
    %add3A_118 = arith.constant 9920 : i32
    %add3A_119 = arith.addi %mul3A_117, %add3A_118 : i32
    %dma_wait3A = arith.constant 124 : i32
    %dma_wait3A_120 = arith.constant 1 : i32
    %dma_wait3A_121 = arith.constant 1 : i32
    %dma_wait3A_122 = arith.constant 0 : i32
    %dma_wait3A_123 = tpu.memref_slice %arg13[%dma_wait3A_120, %dma_wait3A_122] : memref<2x80xi32, #tpu.memory_space<vmem>> -> memref<1x80xi32, #tpu.memory_space<vmem>>
    %dma_wait3A_124 = tpu.memref_squeeze %dma_wait3A_123 : memref<1x80xi32, #tpu.memory_space<vmem>> -> memref<80xi32, #tpu.memory_space<vmem>>
    %dma_wait3A_125 = arith.constant 0 : i32
    %dma_wait3A_126 = tpu.memref_slice %arg2[%add3A, %dma_wait3A, %dma_wait3A_125] : memref<32x125x80xi32, #tpu.memory_space<hbm>> -> memref<1x1x80xi32, #tpu.memory_space<hbm>>
    %dma_wait3A_127 = tpu.memref_squeeze %dma_wait3A_126 : memref<1x1x80xi32, #tpu.memory_space<hbm>> -> memref<80xi32, #tpu.memory_space<hbm>>
    %dma_wait3A_128 = tpu.memref_slice %arg22[%dma_wait3A_121] : memref<2x!tpu.dma_semaphore, #tpu.memory_space<semaphore_mem>> -> memref<1x!tpu.dma_semaphore, #tpu.memory_space<semaphore_mem>>
    %dma_wait3A_129 = tpu.memref_squeeze %dma_wait3A_128 : memref<1x!tpu.dma_semaphore, #tpu.memory_space<semaphore_mem>> -> memref<!tpu.dma_semaphore, #tpu.memory_space<semaphore_mem>>
    %dma_wait3A_130 = arith.constant 0 : i32
    %dma_wait3A_131 = tpu.memref_slice %arg13[%dma_wait3A_120, %dma_wait3A_130] : memref<2x80xi32, #tpu.memory_space<vmem>> -> memref<1x80xi32, #tpu.memory_space<vmem>>
    %dma_wait3A_132 = tpu.memref_squeeze %dma_wait3A_131 : memref<1x80xi32, #tpu.memory_space<vmem>> -> memref<80xi32, #tpu.memory_space<vmem>>
    %dma_wait3A_133 = arith.constant 0 : i32
    %dma_wait3A_134 = tpu.memref_slice %arg2[%add3A, %dma_wait3A, %dma_wait3A_133] : memref<32x125x80xi32, #tpu.memory_space<hbm>> -> memref<1x1x80xi32, #tpu.memory_space<hbm>>
    %dma_wait3A_135 = tpu.memref_squeeze %dma_wait3A_134 : memref<1x1x80xi32, #tpu.memory_space<hbm>> -> memref<80xi32, #tpu.memory_space<hbm>>
    tpu.wait_dma2 semaphore(%dma_wait3A_129 : memref<!tpu.dma_semaphore, #tpu.memory_space<semaphore_mem>>) src(%dma_wait3A_135 : memref<80xi32, #tpu.memory_space<hbm>>) dst(%dma_wait3A_132 : memref<80xi32, #tpu.memory_space<vmem>>)
    %dma_wait3A_136 = arith.constant 124 : i32
    %dma_wait3A_137 = arith.constant 1 : i32
    %dma_wait3A_138 = arith.constant 1 : i32
    %dma_wait3A_139 = arith.constant 0 : i32
    %dma_wait3A_140 = tpu.memref_slice %arg14[%dma_wait3A_137, %dma_wait3A_139] : memref<2x80xi32, #tpu.memory_space<vmem>> -> memref<1x80xi32, #tpu.memory_space<vmem>>
    %dma_wait3A_141 = tpu.memref_squeeze %dma_wait3A_140 : memref<1x80xi32, #tpu.memory_space<vmem>> -> memref<80xi32, #tpu.memory_space<vmem>>
    %dma_wait3A_142 = arith.constant 0 : i32
    %dma_wait3A_143 = tpu.memref_slice %arg3[%add3A, %dma_wait3A_136, %dma_wait3A_142] : memref<32x125x80xi32, #tpu.memory_space<hbm>> -> memref<1x1x80xi32, #tpu.memory_space<hbm>>
    %dma_wait3A_144 = tpu.memref_squeeze %dma_wait3A_143 : memref<1x1x80xi32, #tpu.memory_space<hbm>> -> memref<80xi32, #tpu.memory_space<hbm>>
    %dma_wait3A_145 = tpu.memref_slice %arg22[%dma_wait3A_138] : memref<2x!tpu.dma_semaphore, #tpu.memory_space<semaphore_mem>> -> memref<1x!tpu.dma_semaphore, #tpu.memory_space<semaphore_mem>>
    %dma_wait3A_146 = tpu.memref_squeeze %dma_wait3A_145 : memref<1x!tpu.dma_semaphore, #tpu.memory_space<semaphore_mem>> -> memref<!tpu.dma_semaphore, #tpu.memory_space<semaphore_mem>>
    %dma_wait3A_147 = arith.constant 0 : i32
    %dma_wait3A_148 = tpu.memref_slice %arg14[%dma_wait3A_137, %dma_wait3A_147] : memref<2x80xi32, #tpu.memory_space<vmem>> -> memref<1x80xi32, #tpu.memory_space<vmem>>
    %dma_wait3A_149 = tpu.memref_squeeze %dma_wait3A_148 : memref<1x80xi32, #tpu.memory_space<vmem>> -> memref<80xi32, #tpu.memory_space<vmem>>
    %dma_wait3A_150 = arith.constant 0 : i32
    %dma_wait3A_151 = tpu.memref_slice %arg3[%add3A, %dma_wait3A_136, %dma_wait3A_150] : memref<32x125x80xi32, #tpu.memory_space<hbm>> -> memref<1x1x80xi32, #tpu.memory_space<hbm>>
    %dma_wait3A_152 = tpu.memref_squeeze %dma_wait3A_151 : memref<1x1x80xi32, #tpu.memory_space<hbm>> -> memref<80xi32, #tpu.memory_space<hbm>>
    tpu.wait_dma2 semaphore(%dma_wait3A_146 : memref<!tpu.dma_semaphore, #tpu.memory_space<semaphore_mem>>) src(%dma_wait3A_152 : memref<80xi32, #tpu.memory_space<hbm>>) dst(%dma_wait3A_149 : memref<80xi32, #tpu.memory_space<vmem>>)
    %dma_wait3A_153 = arith.constant 124 : i32
    %dma_wait3A_154 = arith.constant 1 : i32
    %dma_wait3A_155 = arith.constant 1 : i32
    %dma_wait3A_156 = arith.constant 0 : i32
    %dma_wait3A_157 = tpu.memref_slice %arg15[%dma_wait3A_154, %dma_wait3A_156] : memref<2x80xf32, #tpu.memory_space<vmem>> -> memref<1x80xf32, #tpu.memory_space<vmem>>
    %dma_wait3A_158 = tpu.memref_squeeze %dma_wait3A_157 : memref<1x80xf32, #tpu.memory_space<vmem>> -> memref<80xf32, #tpu.memory_space<vmem>>
    %dma_wait3A_159 = arith.constant 0 : i32
    %dma_wait3A_160 = tpu.memref_slice %arg4[%add3A, %dma_wait3A_153, %dma_wait3A_159] : memref<32x125x80xf32, #tpu.memory_space<hbm>> -> memref<1x1x80xf32, #tpu.memory_space<hbm>>
    %dma_wait3A_161 = tpu.memref_squeeze %dma_wait3A_160 : memref<1x1x80xf32, #tpu.memory_space<hbm>> -> memref<80xf32, #tpu.memory_space<hbm>>
    %dma_wait3A_162 = tpu.memref_slice %arg22[%dma_wait3A_155] : memref<2x!tpu.dma_semaphore, #tpu.memory_space<semaphore_mem>> -> memref<1x!tpu.dma_semaphore, #tpu.memory_space<semaphore_mem>>
    %dma_wait3A_163 = tpu.memref_squeeze %dma_wait3A_162 : memref<1x!tpu.dma_semaphore, #tpu.memory_space<semaphore_mem>> -> memref<!tpu.dma_semaphore, #tpu.memory_space<semaphore_mem>>
    %dma_wait3A_164 = arith.constant 0 : i32
    %dma_wait3A_165 = tpu.memref_slice %arg15[%dma_wait3A_154, %dma_wait3A_164] : memref<2x80xf32, #tpu.memory_space<vmem>> -> memref<1x80xf32, #tpu.memory_space<vmem>>
    %dma_wait3A_166 = tpu.memref_squeeze %dma_wait3A_165 : memref<1x80xf32, #tpu.memory_space<vmem>> -> memref<80xf32, #tpu.memory_space<vmem>>
    %dma_wait3A_167 = arith.constant 0 : i32
    %dma_wait3A_168 = tpu.memref_slice %arg4[%add3A, %dma_wait3A_153, %dma_wait3A_167] : memref<32x125x80xf32, #tpu.memory_space<hbm>> -> memref<1x1x80xf32, #tpu.memory_space<hbm>>
    %dma_wait3A_169 = tpu.memref_squeeze %dma_wait3A_168 : memref<1x1x80xf32, #tpu.memory_space<hbm>> -> memref<80xf32, #tpu.memory_space<hbm>>
    tpu.wait_dma2 semaphore(%dma_wait3A_163 : memref<!tpu.dma_semaphore, #tpu.memory_space<semaphore_mem>>) src(%dma_wait3A_169 : memref<80xf32, #tpu.memory_space<hbm>>) dst(%dma_wait3A_166 : memref<80xf32, #tpu.memory_space<vmem>>)
    %dma_wait3A_170 = arith.constant 1 : i32
    %dma_wait3A_171 = arith.constant 1 : i32
    %dma_wait3A_172 = arith.constant 0 : i32
    %dma_wait3A_173 = arith.constant 0 : i32
    %dma_wait3A_174 = tpu.memref_slice %arg19[%dma_wait3A_170, %dma_wait3A_172, %dma_wait3A_173] : memref<2x80x128xf32, #tpu.memory_space<vmem>> -> memref<1x80x128xf32, #tpu.memory_space<vmem>>
    %dma_wait3A_175 = tpu.memref_squeeze %dma_wait3A_174 : memref<1x80x128xf32, #tpu.memory_space<vmem>> -> memref<80x128xf32, #tpu.memory_space<vmem>>
    %dma_wait3A_176 = arith.constant 0 : i32
    %dma_wait3A_177 = tpu.memref_slice %arg10[%add3A_119, %dma_wait3A_176] : memref<320000x128xf32, #tpu.memory_space<hbm>> -> memref<80x128xf32, #tpu.memory_space<hbm>>
    %dma_wait3A_178 = tpu.memref_slice %arg22[%dma_wait3A_171] : memref<2x!tpu.dma_semaphore, #tpu.memory_space<semaphore_mem>> -> memref<1x!tpu.dma_semaphore, #tpu.memory_space<semaphore_mem>>
    %dma_wait3A_179 = tpu.memref_squeeze %dma_wait3A_178 : memref<1x!tpu.dma_semaphore, #tpu.memory_space<semaphore_mem>> -> memref<!tpu.dma_semaphore, #tpu.memory_space<semaphore_mem>>
    %dma_wait3A_180 = arith.constant 0 : i32
    %dma_wait3A_181 = arith.constant 0 : i32
    %dma_wait3A_182 = tpu.memref_slice %arg19[%dma_wait3A_170, %dma_wait3A_180, %dma_wait3A_181] : memref<2x80x128xf32, #tpu.memory_space<vmem>> -> memref<1x80x128xf32, #tpu.memory_space<vmem>>
    %dma_wait3A_183 = tpu.memref_squeeze %dma_wait3A_182 : memref<1x80x128xf32, #tpu.memory_space<vmem>> -> memref<80x128xf32, #tpu.memory_space<vmem>>
    %dma_wait3A_184 = arith.constant 0 : i32
    %dma_wait3A_185 = tpu.memref_slice %arg10[%add3A_119, %dma_wait3A_184] : memref<320000x128xf32, #tpu.memory_space<hbm>> -> memref<80x128xf32, #tpu.memory_space<hbm>>
    tpu.wait_dma2 semaphore(%dma_wait3A_179 : memref<!tpu.dma_semaphore, #tpu.memory_space<semaphore_mem>>) src(%dma_wait3A_185 : memref<80x128xf32, #tpu.memory_space<hbm>>) dst(%dma_wait3A_183 : memref<80x128xf32, #tpu.memory_space<vmem>>)
    %barrier3A_186 = arith.constant 0 : index
    tpu.barrier barrier_id(%barrier3A_186)
    %mul3A_187 = arith.constant 625 : i32
    %mul3A_188 = arith.muli %arg1, %mul3A_187 : i32
    %mul3A_189 = arith.constant 10000 : i32
    %mul3A_190 = arith.muli %arg0, %mul3A_189 : i32
    %mul3A_191 = arith.constant 625 : i32
    %mul3A_192 = arith.muli %arg1, %mul3A_191 : i32
    %add3A_193 = arith.addi %mul3A_190, %mul3A_192 : i32
    "tpu.region"() ({
      %run_scoped3A = tpu.sem_alloc : memref<!tpu.dma_semaphore, #tpu.memory_space<semaphore_mem>>
      %dma_start3A_194 = arith.constant 0 : i32
      %dma_start3A_195 = tpu.memref_slice %arg12[%add3A_193, %dma_start3A_194] : memref<20000x144xf32, #tpu.memory_space<hbm>> -> memref<625x144xf32, #tpu.memory_space<hbm>>
      %dma_start3A_196 = arith.constant 0 : i32
      %dma_start3A_197 = tpu.memref_slice %arg21[%mul3A_188, %dma_start3A_196] : memref<10000x144xf32, #tpu.memory_space<vmem_shared>> -> memref<625x144xf32, #tpu.memory_space<vmem_shared>>
      tpu.enqueue_dma source(%dma_start3A_197 : memref<625x144xf32, #tpu.memory_space<vmem_shared>>) target(%dma_start3A_195 : memref<625x144xf32, #tpu.memory_space<hbm>>) target_semaphore(%run_scoped3A : memref<!tpu.dma_semaphore, #tpu.memory_space<semaphore_mem>>)
      %dma_wait3A_198 = arith.constant 0 : i32
      %dma_wait3A_199 = tpu.memref_slice %arg12[%add3A_193, %dma_wait3A_198] : memref<20000x144xf32, #tpu.memory_space<hbm>> -> memref<625x144xf32, #tpu.memory_space<hbm>>
      %dma_wait3A_200 = arith.constant 0 : i32
      %dma_wait3A_201 = tpu.memref_slice %arg21[%mul3A_188, %dma_wait3A_200] : memref<10000x144xf32, #tpu.memory_space<vmem_shared>> -> memref<625x144xf32, #tpu.memory_space<vmem_shared>>
      tpu.wait_dma2 semaphore(%run_scoped3A : memref<!tpu.dma_semaphore, #tpu.memory_space<semaphore_mem>>) src(%dma_wait3A_201 : memref<625x144xf32, #tpu.memory_space<vmem_shared>>) dst(%dma_wait3A_199 : memref<625x144xf32, #tpu.memory_space<hbm>>)
      tpu.yield
    }) : () -> ()
    return
  }
}

module attributes {stable_mosaic.version = 14 : i64} {
  func.func @_edge_dense_body(%arg0: i32, %arg1: memref<3200x16xf32, #tpu.memory_space<vmem>>, %arg2: memref<16x128xf32, #tpu.memory_space<vmem>>, %arg3: memref<1x128xf32, #tpu.memory_space<vmem>>, %arg4: memref<128x1xf32, #tpu.memory_space<vmem>>, %arg5: memref<1x1xf32, #tpu.memory_space<vmem>>, %arg6: memref<3200x128xf32, #tpu.memory_space<vmem>>, %arg7: memref<3200x1xf32, #tpu.memory_space<vmem>>) attributes {dimension_semantics = [#tpu.dimension_semantics<arbitrary>], iteration_bounds = array<i64: 100>, scalar_prefetch = 0 : i64, scratch_operands = 0 : i64, tpu.core_type = #tpu.core_type<tc>, window_params = [{transform_indices = @transform_0, window_bounds = array<i64: 3200, 16>}, {pipeline_mode = #tpu.pipeline_mode<synchronous>, transform_indices = @transform_1, window_bounds = array<i64: 16, 128>}, {pipeline_mode = #tpu.pipeline_mode<synchronous>, transform_indices = @transform_2, window_bounds = array<i64: 1, 128>}, {pipeline_mode = #tpu.pipeline_mode<synchronous>, transform_indices = @transform_3, window_bounds = array<i64: 128, 1>}, {pipeline_mode = #tpu.pipeline_mode<synchronous>, transform_indices = @transform_4, window_bounds = array<i64: 1, 1>}, {transform_indices = @transform_5, window_bounds = array<i64: 3200, 128>}, {transform_indices = @transform_6, window_bounds = array<i64: 3200, 1>}]} {
    %get3A = arith.constant 0 : index
    %get3A_0 = arith.constant 0 : index
    %get3A_1 = vector.load %arg1[%get3A, %get3A_0] : memref<3200x16xf32, #tpu.memory_space<vmem>>, vector<3200x16xf32>
    %get3A_2 = arith.constant 0 : index
    %get3A_3 = arith.constant 0 : index
    %get3A_4 = vector.load %arg2[%get3A_2, %get3A_3] : memref<16x128xf32, #tpu.memory_space<vmem>>, vector<16x128xf32>
    %dot_general3A = arith.constant dense<0.000000e+00> : vector<3200x128xf32>
    %dot_general3A_5 = tpu.matmul %get3A_1, %get3A_4, %dot_general3A {dimension_numbers = #tpu.dot_dimension_numbers<[1], [0], [0], [1], [0, 0, 1, 1], [], []>, transpose_lhs_hint = false} : vector<3200x16xf32>, vector<16x128xf32>, vector<3200x128xf32> -> vector<3200x128xf32>
    %get3A_6 = arith.constant 0 : index
    %get3A_7 = arith.constant 0 : index
    %get3A_8 = vector.load %arg3[%get3A_6, %get3A_7] : memref<1x128xf32, #tpu.memory_space<vmem>>, vector<1x128xf32>
    %add3A = vector.broadcast %get3A_8 : vector<1x128xf32> to vector<3200x128xf32>
    %add3A_9 = arith.addf %dot_general3A_5, %add3A : vector<3200x128xf32>
    %swap3A = arith.constant 0 : index
    %swap3A_10 = arith.constant 0 : index
    %swap3A_11 = vector.load %arg6[%swap3A, %swap3A_10] : memref<3200x128xf32, #tpu.memory_space<vmem>>, vector<3200x128xf32>
    tpu.vector_store %arg6[%swap3A, %swap3A_10], %add3A_9 {strides = array<i32>} : memref<3200x128xf32, #tpu.memory_space<vmem>>, vector<3200x128xf32>,
    %get3A_12 = arith.constant 0 : index
    %get3A_13 = arith.constant 0 : index
    %get3A_14 = vector.load %arg2[%get3A_12, %get3A_13] : memref<16x128xf32, #tpu.memory_space<vmem>>, vector<16x128xf32>
    %get3A_15 = arith.constant 0 : index
    %get3A_16 = arith.constant 0 : index
    %get3A_17 = vector.load %arg4[%get3A_15, %get3A_16] : memref<128x1xf32, #tpu.memory_space<vmem>>, vector<128x1xf32>
    %dot_general3A_18 = arith.constant dense<0.000000e+00> : vector<16x1xf32>
    %dot_general3A_19 = tpu.matmul %get3A_14, %get3A_17, %dot_general3A_18 {dimension_numbers = #tpu.dot_dimension_numbers<[1], [0], [0], [1], [0, 0, 1, 1], [], []>, transpose_lhs_hint = false} : vector<16x128xf32>, vector<128x1xf32>, vector<16x1xf32> -> vector<16x1xf32>
    %get3A_20 = arith.constant 0 : index
    %get3A_21 = arith.constant 0 : index
    %get3A_22 = vector.load %arg3[%get3A_20, %get3A_21] : memref<1x128xf32, #tpu.memory_space<vmem>>, vector<1x128xf32>
    %get3A_23 = arith.constant 0 : index
    %get3A_24 = arith.constant 0 : index
    %get3A_25 = vector.load %arg4[%get3A_23, %get3A_24] : memref<128x1xf32, #tpu.memory_space<vmem>>, vector<128x1xf32>
    %dot_general3A_26 = arith.constant dense<0.000000e+00> : vector<1x1xf32>
    %dot_general3A_27 = tpu.matmul %get3A_22, %get3A_25, %dot_general3A_26 {dimension_numbers = #tpu.dot_dimension_numbers<[1], [0], [0], [1], [0, 0, 1, 1], [], []>, transpose_lhs_hint = false} : vector<1x128xf32>, vector<128x1xf32>, vector<1x1xf32> -> vector<1x1xf32>
    %dot_general3A_28 = arith.constant dense<0.000000e+00> : vector<3200x1xf32>
    %dot_general3A_29 = tpu.matmul %get3A_1, %dot_general3A_19, %dot_general3A_28 {dimension_numbers = #tpu.dot_dimension_numbers<[1], [0], [0], [1], [0, 0, 1, 1], [], []>, transpose_lhs_hint = false} : vector<3200x16xf32>, vector<16x1xf32>, vector<3200x1xf32> -> vector<3200x1xf32>
    %add3A_30 = vector.broadcast %dot_general3A_27 : vector<1x1xf32> to vector<3200x1xf32>
    %add3A_31 = arith.addf %dot_general3A_29, %add3A_30 : vector<3200x1xf32>
    %get3A_32 = arith.constant 0 : index
    %get3A_33 = arith.constant 0 : index
    %get3A_34 = vector.load %arg5[%get3A_32, %get3A_33] : memref<1x1xf32, #tpu.memory_space<vmem>>, vector<1x1xf32>
    %add3A_35 = vector.broadcast %get3A_34 : vector<1x1xf32> to vector<3200x1xf32>
    %add3A_36 = arith.addf %add3A_31, %add3A_35 : vector<3200x1xf32>
    %swap3A_37 = arith.constant 0 : index
    %swap3A_38 = arith.constant 0 : index
    %swap3A_39 = vector.load %arg7[%swap3A_37, %swap3A_38] : memref<3200x1xf32, #tpu.memory_space<vmem>>, vector<3200x1xf32>
    tpu.vector_store %arg7[%swap3A_37, %swap3A_38], %add3A_36 {strides = array<i32>} : memref<3200x1xf32, #tpu.memory_space<vmem>>, vector<3200x1xf32>,
    return
  }
  func.func @transform_0(%arg0: i32) -> (i32, i32) {
    %c0_i32 = arith.constant 0 : i32
    %c0_i32_0 = arith.constant 0 : i32
    return %arg0, %c0_i32 : i32, i32
  }
  func.func @transform_1(%arg0: i32) -> (i32, i32) {
    %c0_i32 = arith.constant 0 : i32
    %c0_i32_0 = arith.constant 0 : i32
    %c0_i32_1 = arith.constant 0 : i32
    return %c0_i32, %c0_i32_0 : i32, i32
  }
  func.func @transform_2(%arg0: i32) -> (i32, i32) {
    %c0_i32 = arith.constant 0 : i32
    %c0_i32_0 = arith.constant 0 : i32
    %c0_i32_1 = arith.constant 0 : i32
    return %c0_i32, %c0_i32_0 : i32, i32
  }
  func.func @transform_3(%arg0: i32) -> (i32, i32) {
    %c0_i32 = arith.constant 0 : i32
    %c0_i32_0 = arith.constant 0 : i32
    %c0_i32_1 = arith.constant 0 : i32
    return %c0_i32, %c0_i32_0 : i32, i32
  }
  func.func @transform_4(%arg0: i32) -> (i32, i32) {
    %c0_i32 = arith.constant 0 : i32
    %c0_i32_0 = arith.constant 0 : i32
    %c0_i32_1 = arith.constant 0 : i32
    return %c0_i32, %c0_i32_0 : i32, i32
  }
  func.func @transform_5(%arg0: i32) -> (i32, i32) {
    %c0_i32 = arith.constant 0 : i32
    %c0_i32_0 = arith.constant 0 : i32
    return %arg0, %c0_i32 : i32, i32
  }
  func.func @transform_6(%arg0: i32) -> (i32, i32) {
    %c0_i32 = arith.constant 0 : i32
    %c0_i32_0 = arith.constant 0 : i32
    return %arg0, %c0_i32 : i32, i32
  }
}

module attributes {stable_mosaic.version = 14 : i64} {
  func.func @_node_dense_body(%arg0: i32, %arg1: memref<2000x128xf32, #tpu.memory_space<vmem>>, %arg2: memref<128x128xf32, #tpu.memory_space<vmem>>, %arg3: memref<1x128xf32, #tpu.memory_space<vmem>>, %arg4: memref<128x128xf32, #tpu.memory_space<vmem>>, %arg5: memref<1x128xf32, #tpu.memory_space<vmem>>, %arg6: memref<128x1xf32, #tpu.memory_space<vmem>>, %arg7: memref<128x128xf32, #tpu.memory_space<vmem>>, %arg8: memref<1x128xf32, #tpu.memory_space<vmem>>, %arg9: memref<2000x128xf32, #tpu.memory_space<vmem>>, %arg10: memref<2000x128xf32, #tpu.memory_space<vmem>>, %arg11: memref<2000x128xf32, #tpu.memory_space<vmem>>, %arg12: memref<2000x1xf32, #tpu.memory_space<vmem>>, %arg13: memref<2000x1xf32, #tpu.memory_space<vmem>>) attributes {dimension_semantics = [#tpu.dimension_semantics<arbitrary>], iteration_bounds = array<i64: 5>, scalar_prefetch = 0 : i64, scratch_operands = 0 : i64, tpu.core_type = #tpu.core_type<tc>, window_params = [{transform_indices = @transform_0, window_bounds = array<i64: 2000, 128>}, {pipeline_mode = #tpu.pipeline_mode<synchronous>, transform_indices = @transform_1, window_bounds = array<i64: 128, 128>}, {pipeline_mode = #tpu.pipeline_mode<synchronous>, transform_indices = @transform_2, window_bounds = array<i64: 1, 128>}, {pipeline_mode = #tpu.pipeline_mode<synchronous>, transform_indices = @transform_3, window_bounds = array<i64: 128, 128>}, {pipeline_mode = #tpu.pipeline_mode<synchronous>, transform_indices = @transform_4, window_bounds = array<i64: 1, 128>}, {pipeline_mode = #tpu.pipeline_mode<synchronous>, transform_indices = @transform_5, window_bounds = array<i64: 128, 1>}, {pipeline_mode = #tpu.pipeline_mode<synchronous>, transform_indices = @transform_6, window_bounds = array<i64: 128, 128>}, {pipeline_mode = #tpu.pipeline_mode<synchronous>, transform_indices = @transform_7, window_bounds = array<i64: 1, 128>}, {transform_indices = @transform_8, window_bounds = array<i64: 2000, 128>}, {transform_indices = @transform_9, window_bounds = array<i64: 2000, 128>}, {transform_indices = @transform_10, window_bounds = array<i64: 2000, 128>}, {transform_indices = @transform_11, window_bounds = array<i64: 2000, 1>}, {transform_indices = @transform_12, window_bounds = array<i64: 2000, 1>}]} {
    %get3A = arith.constant 0 : index
    %get3A_0 = arith.constant 0 : index
    %get3A_1 = vector.load %arg1[%get3A, %get3A_0] : memref<2000x128xf32, #tpu.memory_space<vmem>>, vector<2000x128xf32>
    %get3A_2 = arith.constant 0 : index
    %get3A_3 = arith.constant 0 : index
    %get3A_4 = vector.load %arg2[%get3A_2, %get3A_3] : memref<128x128xf32, #tpu.memory_space<vmem>>, vector<128x128xf32>
    %dot_general3A = arith.constant dense<0.000000e+00> : vector<2000x128xf32>
    %dot_general3A_5 = tpu.matmul %get3A_1, %get3A_4, %dot_general3A {dimension_numbers = #tpu.dot_dimension_numbers<[1], [0], [0], [1], [0, 0, 1, 1], [], []>, transpose_lhs_hint = false} : vector<2000x128xf32>, vector<128x128xf32>, vector<2000x128xf32> -> vector<2000x128xf32>
    %get3A_6 = arith.constant 0 : index
    %get3A_7 = arith.constant 0 : index
    %get3A_8 = vector.load %arg3[%get3A_6, %get3A_7] : memref<1x128xf32, #tpu.memory_space<vmem>>, vector<1x128xf32>
    %add3A = vector.broadcast %get3A_8 : vector<1x128xf32> to vector<2000x128xf32>
    %add3A_9 = arith.addf %dot_general3A_5, %add3A : vector<2000x128xf32>
    %get3A_10 = arith.constant 0 : index
    %get3A_11 = arith.constant 0 : index
    %get3A_12 = vector.load %arg4[%get3A_10, %get3A_11] : memref<128x128xf32, #tpu.memory_space<vmem>>, vector<128x128xf32>
    %dot_general3A_13 = arith.constant dense<0.000000e+00> : vector<2000x128xf32>
    %dot_general3A_14 = tpu.matmul %get3A_1, %get3A_12, %dot_general3A_13 {dimension_numbers = #tpu.dot_dimension_numbers<[1], [0], [0], [1], [0, 0, 1, 1], [], []>, transpose_lhs_hint = false} : vector<2000x128xf32>, vector<128x128xf32>, vector<2000x128xf32> -> vector<2000x128xf32>
    %get3A_15 = arith.constant 0 : index
    %get3A_16 = arith.constant 0 : index
    %get3A_17 = vector.load %arg5[%get3A_15, %get3A_16] : memref<1x128xf32, #tpu.memory_space<vmem>>, vector<1x128xf32>
    %add3A_18 = vector.broadcast %get3A_17 : vector<1x128xf32> to vector<2000x128xf32>
    %add3A_19 = arith.addf %dot_general3A_14, %add3A_18 : vector<2000x128xf32>
    %get3A_20 = arith.constant 0 : index
    %get3A_21 = arith.constant 0 : index
    %get3A_22 = vector.load %arg7[%get3A_20, %get3A_21] : memref<128x128xf32, #tpu.memory_space<vmem>>, vector<128x128xf32>
    %dot_general3A_23 = arith.constant dense<0.000000e+00> : vector<2000x128xf32>
    %dot_general3A_24 = tpu.matmul %get3A_1, %get3A_22, %dot_general3A_23 {dimension_numbers = #tpu.dot_dimension_numbers<[1], [0], [0], [1], [0, 0, 1, 1], [], []>, transpose_lhs_hint = false} : vector<2000x128xf32>, vector<128x128xf32>, vector<2000x128xf32> -> vector<2000x128xf32>
    %get3A_25 = arith.constant 0 : index
    %get3A_26 = arith.constant 0 : index
    %get3A_27 = vector.load %arg8[%get3A_25, %get3A_26] : memref<1x128xf32, #tpu.memory_space<vmem>>, vector<1x128xf32>
    %add3A_28 = vector.broadcast %get3A_27 : vector<1x128xf32> to vector<2000x128xf32>
    %add3A_29 = arith.addf %dot_general3A_24, %add3A_28 : vector<2000x128xf32>
    %swap3A = arith.constant 0 : index
    %swap3A_30 = arith.constant 0 : index
    %swap3A_31 = vector.load %arg9[%swap3A, %swap3A_30] : memref<2000x128xf32, #tpu.memory_space<vmem>>, vector<2000x128xf32>
    tpu.vector_store %arg9[%swap3A, %swap3A_30], %add3A_9 {strides = array<i32>} : memref<2000x128xf32, #tpu.memory_space<vmem>>, vector<2000x128xf32>,
    %swap3A_32 = arith.constant 0 : index
    %swap3A_33 = arith.constant 0 : index
    %swap3A_34 = vector.load %arg10[%swap3A_32, %swap3A_33] : memref<2000x128xf32, #tpu.memory_space<vmem>>, vector<2000x128xf32>
    tpu.vector_store %arg10[%swap3A_32, %swap3A_33], %add3A_19 {strides = array<i32>} : memref<2000x128xf32, #tpu.memory_space<vmem>>, vector<2000x128xf32>,
    %swap3A_35 = arith.constant 0 : index
    %swap3A_36 = arith.constant 0 : index
    %swap3A_37 = vector.load %arg11[%swap3A_35, %swap3A_36] : memref<2000x128xf32, #tpu.memory_space<vmem>>, vector<2000x128xf32>
    tpu.vector_store %arg11[%swap3A_35, %swap3A_36], %add3A_29 {strides = array<i32>} : memref<2000x128xf32, #tpu.memory_space<vmem>>, vector<2000x128xf32>,
    %get3A_38 = arith.constant 0 : index
    %get3A_39 = arith.constant 0 : index
    %get3A_40 = vector.load %arg6[%get3A_38, %get3A_39] : memref<128x1xf32, #tpu.memory_space<vmem>>, vector<128x1xf32>
    %dot_general3A_41 = arith.constant dense<0.000000e+00> : vector<2000x1xf32>
    %dot_general3A_42 = tpu.matmul %add3A_9, %get3A_40, %dot_general3A_41 {dimension_numbers = #tpu.dot_dimension_numbers<[1], [0], [0], [1], [0, 0, 1, 1], [], []>, transpose_lhs_hint = false} : vector<2000x128xf32>, vector<128x1xf32>, vector<2000x1xf32> -> vector<2000x1xf32>
    %swap3A_43 = arith.constant 0 : index
    %swap3A_44 = arith.constant 0 : index
    %swap3A_45 = vector.load %arg12[%swap3A_43, %swap3A_44] : memref<2000x1xf32, #tpu.memory_space<vmem>>, vector<2000x1xf32>
    tpu.vector_store %arg12[%swap3A_43, %swap3A_44], %dot_general3A_42 {strides = array<i32>} : memref<2000x1xf32, #tpu.memory_space<vmem>>, vector<2000x1xf32>,
    %dot_general3A_46 = arith.constant dense<0.000000e+00> : vector<2000x1xf32>
    %dot_general3A_47 = tpu.matmul %add3A_19, %get3A_40, %dot_general3A_46 {dimension_numbers = #tpu.dot_dimension_numbers<[1], [0], [0], [1], [0, 0, 1, 1], [], []>, transpose_lhs_hint = false} : vector<2000x128xf32>, vector<128x1xf32>, vector<2000x1xf32> -> vector<2000x1xf32>
    %swap3A_48 = arith.constant 0 : index
    %swap3A_49 = arith.constant 0 : index
    %swap3A_50 = vector.load %arg13[%swap3A_48, %swap3A_49] : memref<2000x1xf32, #tpu.memory_space<vmem>>, vector<2000x1xf32>
    tpu.vector_store %arg13[%swap3A_48, %swap3A_49], %dot_general3A_47 {strides = array<i32>} : memref<2000x1xf32, #tpu.memory_space<vmem>>, vector<2000x1xf32>,
    return
  }
  func.func @transform_0(%arg0: i32) -> (i32, i32) {
    %c0_i32 = arith.constant 0 : i32
    %c0_i32_0 = arith.constant 0 : i32
    return %arg0, %c0_i32 : i32, i32
  }
  func.func @transform_1(%arg0: i32) -> (i32, i32) {
    %c0_i32 = arith.constant 0 : i32
    %c0_i32_0 = arith.constant 0 : i32
    %c0_i32_1 = arith.constant 0 : i32
    return %c0_i32, %c0_i32_0 : i32, i32
  }
  func.func @transform_2(%arg0: i32) -> (i32, i32) {
    %c0_i32 = arith.constant 0 : i32
    %c0_i32_0 = arith.constant 0 : i32
    %c0_i32_1 = arith.constant 0 : i32
    return %c0_i32, %c0_i32_0 : i32, i32
  }
  func.func @transform_3(%arg0: i32) -> (i32, i32) {
    %c0_i32 = arith.constant 0 : i32
    %c0_i32_0 = arith.constant 0 : i32
    %c0_i32_1 = arith.constant 0 : i32
    return %c0_i32, %c0_i32_0 : i32, i32
  }
  func.func @transform_4(%arg0: i32) -> (i32, i32) {
    %c0_i32 = arith.constant 0 : i32
    %c0_i32_0 = arith.constant 0 : i32
    %c0_i32_1 = arith.constant 0 : i32
    return %c0_i32, %c0_i32_0 : i32, i32
  }
  func.func @transform_5(%arg0: i32) -> (i32, i32) {
    %c0_i32 = arith.constant 0 : i32
    %c0_i32_0 = arith.constant 0 : i32
    %c0_i32_1 = arith.constant 0 : i32
    return %c0_i32, %c0_i32_0 : i32, i32
  }
  func.func @transform_6(%arg0: i32) -> (i32, i32) {
    %c0_i32 = arith.constant 0 : i32
    %c0_i32_0 = arith.constant 0 : i32
    %c0_i32_1 = arith.constant 0 : i32
    return %c0_i32, %c0_i32_0 : i32, i32
  }
  func.func @transform_7(%arg0: i32) -> (i32, i32) {
    %c0_i32 = arith.constant 0 : i32
    %c0_i32_0 = arith.constant 0 : i32
    %c0_i32_1 = arith.constant 0 : i32
    return %c0_i32, %c0_i32_0 : i32, i32
  }
  func.func @transform_8(%arg0: i32) -> (i32, i32) {
    %c0_i32 = arith.constant 0 : i32
    %c0_i32_0 = arith.constant 0 : i32
    return %arg0, %c0_i32 : i32, i32
  }
  func.func @transform_9(%arg0: i32) -> (i32, i32) {
    %c0_i32 = arith.constant 0 : i32
    %c0_i32_0 = arith.constant 0 : i32
    return %arg0, %c0_i32 : i32, i32
  }
  func.func @transform_10(%arg0: i32) -> (i32, i32) {
    %c0_i32 = arith.constant 0 : i32
    %c0_i32_0 = arith.constant 0 : i32
    return %arg0, %c0_i32 : i32, i32
  }
  func.func @transform_11(%arg0: i32) -> (i32, i32) {
    %c0_i32 = arith.constant 0 : i32
    %c0_i32_0 = arith.constant 0 : i32
    return %arg0, %c0_i32 : i32, i32
  }
  func.func @transform_12(%arg0: i32) -> (i32, i32) {
    %c0_i32 = arith.constant 0 : i32
    %c0_i32_0 = arith.constant 0 : i32
    return %arg0, %c0_i32 : i32, i32
  }
}

module attributes {stable_mosaic.version = 14 : i64} {
  func.func @_combine_body(%arg0: i32, %arg1: memref<2000x144xf32, #tpu.memory_space<vmem>>, %arg2: memref<2000x144xf32, #tpu.memory_space<vmem>>, %arg3: memref<2000x128xf32, #tpu.memory_space<vmem>>) attributes {dimension_semantics = [#tpu.dimension_semantics<arbitrary>], iteration_bounds = array<i64: 5>, scalar_prefetch = 0 : i64, scratch_operands = 0 : i64, tpu.core_type = #tpu.core_type<tc>, window_params = [{transform_indices = @transform_0, window_bounds = array<i64: 2000, 144>}, {transform_indices = @transform_1, window_bounds = array<i64: 2000, 144>}, {transform_indices = @transform_2, window_bounds = array<i64: 2000, 128>}]} {
    %get3A = arith.constant 0 : index
    %get3A_0 = arith.constant 0 : index
    %get3A_1 = vector.load %arg1[%get3A, %get3A_0] : memref<2000x144xf32, #tpu.memory_space<vmem>>, vector<2000x144xf32>
    %get3A_2 = arith.constant 0 : index
    %get3A_3 = arith.constant 0 : index
    %get3A_4 = vector.load %arg2[%get3A_2, %get3A_3] : memref<2000x144xf32, #tpu.memory_space<vmem>>, vector<2000x144xf32>
    %add3A = arith.addf %get3A_1, %get3A_4 : vector<2000x144xf32>
    %slice3A = vector.extract_strided_slice %add3A {offsets = [0, 0], sizes = [2000, 128], strides = [1, 1]} : vector<2000x144xf32> to vector<2000x128xf32>
    %slice3A_5 = vector.extract_strided_slice %add3A {offsets = [0, 128], sizes = [2000, 1], strides = [1, 1]} : vector<2000x144xf32> to vector<2000x1xf32>
    %gt3A = arith.constant 0.000000e+00 : f32
    %gt3A_6 = vector.broadcast %gt3A : f32 to vector<2000x1xf32>
    %gt3A_7 = arith.cmpf ogt, %slice3A_5, %gt3A_6 : vector<2000x1xf32>
    %div3A = vector.broadcast %slice3A_5 : vector<2000x1xf32> to vector<2000x128xf32>
    %div3A_8 = arith.divf %slice3A, %div3A : vector<2000x128xf32>
    %jit3A = arith.constant 0.000000e+00 : f32
    %broadcast_in_dim3A = vector.shape_cast %gt3A_7 : vector<2000x1xi1> to vector<2000x1xi1>
    %broadcast_in_dim3A_9 = vector.broadcast %broadcast_in_dim3A : vector<2000x1xi1> to vector<2000x128xi1>
    %broadcast_in_dim3A_10 = vector.broadcast %jit3A : f32 to vector<2000x128xf32>
    %select_n3A = arith.select %broadcast_in_dim3A_9, %div3A_8, %broadcast_in_dim3A_10 : vector<2000x128xi1>, vector<2000x128xf32>
    %swap3A = arith.constant 0 : index
    %swap3A_11 = arith.constant 0 : index
    %swap3A_12 = vector.load %arg3[%swap3A, %swap3A_11] : memref<2000x128xf32, #tpu.memory_space<vmem>>, vector<2000x128xf32>
    tpu.vector_store %arg3[%swap3A, %swap3A_11], %select_n3A {strides = array<i32>} : memref<2000x128xf32, #tpu.memory_space<vmem>>, vector<2000x128xf32>,
    return
  }
  func.func @transform_0(%arg0: i32) -> (i32, i32) {
    %c0_i32 = arith.constant 0 : i32
    %c0_i32_0 = arith.constant 0 : i32
    return %arg0, %c0_i32 : i32, i32
  }
  func.func @transform_1(%arg0: i32) -> (i32, i32) {
    %add3A = arith.constant 5 : i32
    %add3A_0 = arith.addi %arg0, %add3A : i32
    %c0_i32 = arith.constant 0 : i32
    %c0_i32_1 = arith.constant 0 : i32
    return %add3A_0, %c0_i32 : i32, i32
  }
  func.func @transform_2(%arg0: i32) -> (i32, i32) {
    %c0_i32 = arith.constant 0 : i32
    %c0_i32_0 = arith.constant 0 : i32
    return %arg0, %c0_i32 : i32, i32
  }
}

</mosaic_0001>

<sc_bundles>
// kernel: kernel.6.cloned.1.call-start
scs
__scs_entry_jumppad:
0x0: {  	(pc) =	sbr.rel $0x88, $3  }
0x1: {  	(tag) =	ssettag $0x0;
	lr =	simm.s32 $0x1  }
0x2: {  	[smem:$0x3F93] =	sst lr;
	_ =	strace $0xD0000000  }
0x3: {  	_ = 	snop  }
0x4: {  	_ = 	snop  }
0x5: {  	_ = 	snop  }
0x6: {  	_ = 	snop  }
0x7: {  	_ = 	snop  }
__scs_overlays_trampoline_lowered:
0x8: {  	[smem:$0x3FA2] =	sst s0  }
0x9: {  	[smem:$0x3FA3] =	sst s1  }
0xa: {  	[smem:$0x3FA4] =	sst s2  }
0xb: {  	[smem:$0x3FA5] =	sst s3  }
0xc: {  	[smem:$0x3FA6] =	sst s4  }
0xd: {  	[smem:$0x3FA7] =	sst s5  }
0xe: {  	[smem:$0x3FA8] =	sst s6  }
0xf: {  	[smem:$0x3FA9] =	sst s7  }
0x10: {  	[smem:$0x3FAA] =	sst s8  }
0x11: {  	[smem:$0x3FAB] =	sst s9;
	s0 =	simm.s32 @!p0 $0x0  }
0x12: {  	s1 =	sld [smem:$0x3F91];
	s0 =	simm.s32 @p0 $0x1  }
0x13: {  	[smem:$0x3FAC] =	sst s0;
	s0 =	simm.s32 @!p1 $0x0  }
0x14: {  	s2 =	sld [smem:$0x3F90];
	s0 =	simm.s32 @p1 $0x1  }
0x15: {  	[smem:$0x3FAD] =	sst s0;
	s0 =	simm.s32 @!p2 $0x0  }
0x16: {  	s3 =	sld [smem:$0x3FDB];
	s0 =	simm.s32 @p2 $0x1  }
0x17: {  	s4 =	simm.s32 $0x1BF5;
	[smem:$0x3FAF] =	sst s0  }
0x18: {  	s0 =	sld [smem:$0x3F92];
	_ =	swait.ge [sflag:s4], $0x0  }
0x19: {  	s7 =	sld [smem:$0x3F93]  }
0x1a: {  	s8 =	sadd.s32 $0xFFFFE003, lr  }
0x1b: {  	s9 =	sadd.s32 $0xFFFFFEF7, lr;
	s5 =	simm.s32 $0xFFFFFFFF;
	p2 =	slt.u32 s8, $0xFFFFF086  }
0x1c: {  	p1 =	slt.u32 s9, $0xF7A;
	s5 =	simm.s32 @!p2 $0x0  }
0x1d: {  	s5 =	simm.s32 @p1 $0x1;
	p0 =	seq.s32 s7, s2  }
0x1e: {  	s7 =	smul.u32 @!p0 $0xF7A, s2;
	p2 =	seq.s32 @!p0 s5, $0x0  }
0x1f: {  	s9 =	smul.u32 $0xF7A, s1;
	s8 =	simm.s32 @!p0 $0x1BF5;
	p2 =	por !p2, p0  }
0x20: {  	[sflag:s8] =	ssyncset.s32 @!p0 $0xFFFFF086;
	s6 =	sadd.s32 @!p0 s3, s7;
	s7 =	simm.s32 @!p0 $0x108  }
0x21: {  	s3 =	sadd.s32 s3, s9;
	s6 =	sadd.s32 @!p0 $0x88, s6;
	s7 =	simm.s32 @p2 $0x1082  }
0x22: {  	[simem:s7], [sflag:s8] =	dma.local @!p0 [hbm:s6], $0xF7A  }
0x23: {  	s9 =	sor.u32 $0xD0000000, s2;
	s6 =	simm.s32 $0x108;
	_ =	swait.ge @!p0 [sflag:s8], $0x0  }
0x24: {  	s3 =	sadd.s32 $0x88, s3;
	s6 =	simm.s32 @!p1 $0x1082;
	[sflag:s4] =	ssyncset.s32 $0xFFFFF086  }
0x25: {  	[simem:s6], [sflag:s4] =	dma.local [hbm:s3], $0xF7A  }
0x26: {  	[smem:$0x3F93] =	sst s1;
	(tag) =	ssettag s2;
	_ =	strace s9  }
0x27: {  	s1 =	sld [smem:$0x3FA3]  }
0x28: {  	s2 =	sld [smem:$0x3FA4]  }
0x29: {  	s4 =	sld [smem:$0x3FA6]  }
0x2a: {  	p0 =	seq.s32 s5, $0x0;
	s5 =	sld [smem:$0x3FA7]  }
0x2b: {  	s6 =	sld [smem:$0x3FA8]  }
0x2c: {  	s7 =	sld [smem:$0x3FA9]  }
0x2d: {  	s3 =	simm.s32 $0x108;
	s8 =	sld [smem:$0x3FAA]  }
0x2e: {  	s3 =	simm.s32 @!p0 $0x1082;
	s9 =	sld [smem:$0x3FAB]  }
0x2f: {  	lr =	sadd.s32 s0, s3;
	s0 =	sld [smem:$0x3FA2]  }
0x30: {  	s3 =	sld [smem:$0x3FA5]  }
0x31: {  	[smem:$0x3FAE] =	sst s10  }
0x32: {  	s10 =	sld [smem:$0x3FAC];
	_ =	sdelay $0x3  }
0x33: {  	p0 =	seq.s32 s10, $0x1;
	s10 =	sld [smem:$0x3FAE];
	_ =	sdelay $0x3  }
0x34: {  	[smem:$0x3FAE] =	sst s10  }
0x35: {  	s10 =	sld [smem:$0x3FAD];
	_ =	sdelay $0x3  }
0x36: {  	p1 =	seq.s32 s10, $0x1;
	s10 =	sld [smem:$0x3FAE];
	_ =	sdelay $0x3  }
0x37: {  	[smem:$0x3FAE] =	sst s10  }
0x38: {  	s10 =	sld [smem:$0x3FAF]  }
0x39: {  	_ = 	snop;
	(pc) =	sbr.ind lr, $3  }
0x3a: {  	_ = 	snop  }
0x3b: {  	_ = 	snop  }
0x3c: {  	p2 =	seq.s32 s10, $0x1;
	s10 =	sld [smem:$0x3FAE]  }
0x3d: {  	_ =	shalt  }
0x3e: {  	_ =	shalt  }
0x3f: {  	_ =	shalt  }
0x40: {  	_ =	shalt  }
0x41: {  	_ =	shalt  }
0x42: {  	_ =	shalt  }
0x43: {  	_ =	shalt  }
0x44: {  	_ =	shalt  }
0x45: {  	_ =	shalt  }
0x46: {  	_ =	shalt  }
0x47: {  	_ =	shalt  }
0x48: {  	_ =	shalt  }
0x49: {  	_ =	shalt  }
0x4a: {  	_ =	shalt  }
0x4b: {  	_ =	shalt  }
0x4c: {  	_ =	shalt  }
0x4d: {  	_ =	shalt  }
0x4e: {  	_ =	shalt  }
0x4f: {  	_ =	shalt  }
0x50: {  	_ =	shalt  }
0x51: {  	_ =	shalt  }
0x52: {  	_ =	shalt  }
0x53: {  	_ =	shalt  }
0x54: {  	_ =	shalt  }
0x55: {  	_ =	shalt  }
0x56: {  	_ =	shalt  }
0x57: {  	_ =	shalt  }
0x58: {  	_ =	shalt  }
0x59: {  	_ =	shalt  }
0x5a: {  	_ =	shalt  }
0x5b: {  	_ =	shalt  }
0x5c: {  	_ =	shalt  }
0x5d: {  	_ =	shalt  }
0x5e: {  	_ =	shalt  }
0x5f: {  	_ =	shalt  }
0x60: {  	_ =	shalt  }
0x61: {  	_ =	shalt  }
0x62: {  	_ =	shalt  }
0x63: {  	_ =	shalt  }
0x64: {  	_ =	shalt  }
0x65: {  	_ =	shalt  }
0x66: {  	_ =	shalt  }
0x67: {  	_ =	shalt  }
0x68: {  	_ =	shalt  }
0x69: {  	_ =	shalt  }
0x6a: {  	_ =	shalt  }
0x6b: {  	_ =	shalt  }
0x6c: {  	_ =	shalt  }
0x6d: {  	_ =	shalt  }
0x6e: {  	_ =	shalt  }
0x6f: {  	_ =	shalt  }
0x70: {  	_ =	shalt  }
0x71: {  	_ =	shalt  }
0x72: {  	_ =	shalt  }
0x73: {  	_ =	shalt  }
0x74: {  	_ =	shalt  }
0x75: {  	_ =	shalt  }
0x76: {  	_ =	shalt  }
0x77: {  	_ =	shalt  }
0x78: {  	_ =	shalt  }
0x79: {  	_ =	shalt  }
0x7a: {  	_ =	shalt  }
0x7b: {  	_ =	shalt  }
0x7c: {  	_ =	shalt  }
0x7d: {  	_ =	shalt  }
0x7e: {  	_ =	shalt  }
0x7f: {  	_ =	shalt  }
0x80: {  	_ =	shalt  }
0x81: {  	_ =	shalt  }
0x82: {  	_ =	shalt  }
0x83: {  	_ =	shalt  }
0x84: {  	_ =	shalt  }
0x85: {  	_ =	shalt  }
0x86: {  	_ =	shalt  }
0x87: {  	_ =	shalt  }
.Lfunc_end0:
.L_simem_size_0:
called_computation_lowered:
.L_overlay_start_0:
0x88: {  	s2 =	sld [smem:$0x3FD9]  }
0x89: {  	s3 =	sld [smem:$0x3FFE];
	_ =	sdelay $0x1  }
0x8a: {  	s1 =	srdreg.scid  }
0x8b: {  	s0 =	sand.u32 $0x1, s1  }
0x8c: {  	s14 =	sshll.u32 s0, $0xA;
	s2 =	sadd.s32 s3, s2  }
0x8d: {  	s2 =	sadd.s32 s2, s14  }
0x8e: {  	[smem:$0x3FBA] =	sst s2  }
0x8f: {  	_ = 	snop  }
0x90: {  	s2 =	sld [smem:$0x3FD0];
	_ =	sdelay $0x1  }
0x91: {  	s15 =	sld [smem:$0x3FC7]  }
0x92: {  	s5 =	simm.s32 $0xA;
	s6 =	simm.s32 $0x10;
	s4 =	sld [smem:$0x3FC6]  }
0x93: {  	[smem:s6], [sflag:s5] =	dma.local [hbm:s2], $0x1  }
0x94: {  	_ =	swait.eq [sflag:s5], $0x1  }
0x95: {  	[sflag:s5] =	ssyncset.done $0x0  }
0x96: {  	[sflag:s5] =	ssyncadd.s32 $0xFFFFFFFF  }
0x97: {  	s16 =	sld [smem:$0x11];
	(tm) =	ssettm $0x1  }
0x98: {  	s17 =	sld [smem:$0x3FFB];
	_ =	sdelay $0x3  }
0x99: {  	_ =	strace s17  }
0x9a: {  	s5 =	sld [smem:$0x3FFC];
	_ =	sdelay $0x3  }
0x9b: {  	_ =	strace s5  }
0x9c: {  	s5 =	sld [smem:$0x3FFD];
	_ =	sdelay $0x3  }
0x9d: {  	_ =	strace s5  }
0x9e: {  	_ =	strace $0x8FFFFFFF  }
0x9f: {  	s18 =	sld [smem:$0x3FDB];
	_ =	sdelay $0x1  }
0xa0: {  	s19 =	simm.s32 $_scs_section_size  }
0xa1: {  	s7 =	simm.s32 $_size__tile_overlayer_lowered;
	s8 =	simm.s32 $_tile_overlayer_lowered  }
0xa2: {  	s22 =	simm.s32 $0x1BFF;
	s21 =	sshll.u32 s8, $0x1;
	s5 =	sadd.s32 s19, s18  }
0xa3: {  	s9 =	simm.s32 $0x0;
	s20 =	sshll.u32 s7, $0x1;
	s7 =	sadd.s32 s21, s5  }
0xa4: {  	[timem:s9], [sflag:s22] =	dma.local [hbm:s7], s20  }
0xa5: {  	_ =	swait.ge [sflag:s22], s20  }
0xa6: {  	s6 =	ssub.s32 $0x0, s20;
	[sflag:s22] =	ssyncset.done $0x0  }
0xa7: {  	[sflag:s22] =	ssyncadd.s32 s6;
	_ =	sdelay $0x1  }
0xa8: {  	s23 =	simm.s32 $0x1B8B  }
0xa9: {  	_ =	swait.ge [sflag:s23], $0x1  }
0xaa: {  	[sflag:s23] =	ssyncset.done $0x0  }
0xab: {  	s25 =	simm.s32 $0x1B8E;
	s24 =	sld [smem:$0x3FFE];
	[sflag:s23] =	ssyncadd.s32 $0xFFFFFFFF  }
0xac: {  	s26 =	simm.s32 $execute0_lowered;
	[smem:$0x3FD2] =	sst s25  }
0xad: {  	s7 =	sshll.u32 s26, $0x1;
	_ =	strace $0x80000046;
	[dreg:$0x1] =	wrdreg $0xFFFFFFFF  }
0xae: {  	s28 =	simm.s32 $_size_execute0_lowered;
	s5 =	sadd.s32 s5, s7;
	[dreg:$0x0] =	wrdreg $0x0  }
0xaf: {  	s7 =	sshll.u32 s28, $0x1;
	[dreg:$0x2] =	wrdreg s5  }
0xb0: {  	[dreg:$0x3] =	wrdreg s7  }
0xb1: {  	[dreg:$0x4] =	wrdreg $0xC0  }
0xb2: {  	_ =	task [dreg:s9], $0x5FFFF  }
0xb3: {  	[dreg:$0x1] =	wrdreg $0xFFFFFFFF  }
0xb4: {  	[dreg:$0x0] =	wrdreg $0x60  }
0xb5: {  	[dreg:$0x2] =	wrdreg s15  }
0xb6: {  	[dreg:$0x3] =	wrdreg s4  }
0xb7: {  	[dreg:$0x4] =	wrdreg s24  }
0xb8: {  	[dreg:$0x5] =	wrdreg s16  }
0xb9: {  	[dreg:$0x6] =	wrdreg $0x7FD00  }
0xba: {  	[dreg:$0x7] =	wrdreg $0x9  }
0xbb: {  	_ =	task.clear_ibuf [dreg:s9], $0x8FFFF;
	_ =	strace $0x90000046  }
0xbc: {  	s29 =	simm.s32 $0x9;
	_ =	strace $0x80000048  }
0xbd: {  	_ =	swait.ge [sflag:s29], $0x1  }
0xbe: {  	[sflag:s29] =	ssyncadd.s32 $0xFFFFFFFF  }
0xbf: {  	_ =	strace $0x90000048  }
0xc0: {  	_ =	sfence  }
0xc1: {  	s30 =	sld [smem:$0x0];
	_ =	sdelay $0x2  }
0xc2: {  	s31 =	sshll.u32 s1, $0xD;
	s1 =	sshrl.u32 s1, $0x2  }
0xc3: {  	s3 =	sand.u32 $0x4000, s31;
	s1 =	sadd.s32 s1, s30  }
0xc4: {  	s0 =	sor.u32 s3, s0;
	s1 =	sshll.u32 s1, $0x11  }
0xc5: {  	s0 =	sor.u32 s1, s0  }
0xc6: {  	s0 =	sadd.s32 $0x8F2B, s0  }
0xc7: {  	[sflag:s0] =	ssyncadd.remote.s32 $0x1  }
0xc8: {  	_ =	sfence.sel $0xFFFF  }
0xc9: {  	[dreg:$0x0] =	wrdreg $0xFFFFFFFF;
	(pc) =	sbr.abs _section_cstart, $3  }
0xca: {  	[dreg:$0x1] =	wrdreg $0xFFFFFFFF  }
0xcb: {  	_ =	task.clear_ibuf [dreg:s9], $0x2FFFF;
	_ =	strace $0x9FFFFFFF  }
0xcc: {  	(tm) =	ssettm $0x7FFFFFFF  }
0xcd: {  	_ =	shalt  }
tec
execute0_lowered:
.L_overlay_start_1:
0x0: {  	(tag) =	ssettag $0x1  }
0x1: {  	s1 =	rddreg [dreg:$0x0]  }
0x2: {  	s17 =	rddreg [dreg:$0x1]  }
0x3: {  	s0 =	rddreg [dreg:$0x2]  }
0x4: {  	s4 =	rddreg [dreg:$0x4];
	s6 =	simm.s32 $0x0;
	s5 =	srdreg.scid  }
0x5: {  	s2 =	stileid.u32;
	s30 =	simm.s32 $0x52D0;
	s31 =	simm.s32 $0x6  }
0x6: {  	[smem:$0x7FF] =	sst s6;
	s5 =	sand.u32 $0x1, s5;
	s13 =	smul.u32 $0x2BF2, s2  }
0x7: {  	s7 =	sadd.s32 $0x9C5200, s0;
	s8 =	sadd.s32 $0x4F600, s0;
	s9 =	sadd.s32 $0x4FC00, s0  }
0x8: {  	s10 =	sadd.s32 $0x1200, s0;
	s11 =	sadd.s32 $0x28400, s0;
	s15 =	smul.u32 $0x57E40, s2  }
0x9: {  	s12 =	sadd.s32 $0x50200, s0;
	_ =	strace $0x80000047;
	s14 =	smul.u32 $0x2BF20, s5  }
0xa: {  	s29 =	sshll.u32 s5, $0x4;
	s5 =	ssub.s32 $0x2, s5;
	s15 =	sshrl.u32 s15, $0x2  }
0xb: {  	s16 =	sshrl.u32 s5, $0x1;
	s14 =	sadd.s32 s13, s14;
	s22 =	sadd.s32 s15, s4  }
0xc: {  	s13 =	sadd.s32 $0x4E3200, s0;
	s3 =	sadd.s32 $0x2D00, s22;
	[dreg:$0x6] =	wrdreg s22  }
0xd: {  	s5 =	ssub.s32 s5, s16;
	s16 =	sadd.s32 $0x5A00, s22;
	[dreg:$0x7] =	wrdreg s3  }
0xe: {  	s0 =	sadd.s32 s14, s0;
	s18 =	sadd.s32 $0x8700, s22;
	[dreg:$0x8] =	wrdreg s16  }
0xf: {  	s14 =	sor.u32 s2, s29;
	s20 =	sadd.s32 $0xB400, s22;
	[dreg:$0x9] =	wrdreg s18  }
0x10: {  	s2 =	smov.u32 s1;
	s25 =	smax.u32 s5, $0x1;
	[dreg:$0xa] =	wrdreg s20  }
0x11: {  	s26 =	sadd.s32 $0xE100, s22;
	s28 =	sadd.s32 $0x10E00, s22;
	[dreg:$0x10] =	wrdreg s25  }
0x12: {  	s29 =	sadd.s32 $0x13B00, s22;
	s15 =	smul.u32 $0x2710, s14;
	[dreg:$0x11] =	wrdreg s26  }
0x13: {  	s5 =	simm.s32 $0x1E0;
	s14 =	smul.u32 $0x27100, s14;
	[dreg:$0x12] =	wrdreg s28  }
0x14: {  	s3 =	smov.u32 s17;
	s0 =	sadd.s32 $0x7C200, s0;
	[dreg:$0x13] =	wrdreg s29  }
0x15: {  	s16 =	simm.s32 $0x230;
	s18 =	simm.s32 $0x4;
	s20 =	simm.s32 $0x5  }
0x16: {  	[dreg:$0xf] =	wrdreg s0;
	s19 =	sshrl.u32 s15, $0x3;
	s24 =	sadd.s32 s13, s14  }
0x17: {  	s0 =	simm.s32 $0x50;
	s1 =	sadd.s32 s1, s19;
	[dreg:$0xe] =	wrdreg s24  }
0x18: {  	s14 =	simm.s32 $0x0;
	s21 =	sadd.s32 s17, s19;
	[dreg:$0xb] =	wrdreg s1  }
0x19: {  	s23 =	sadd.s32 s7, s19;
	s17 =	simm.s32 $0x3;
	[dreg:$0xc] =	wrdreg s21  }
0x1a: {  	v0 =	vimm.f32 $0.0e+00;
	s19 =	simm.s32 $0x280;
	[dreg:$0xd] =	wrdreg s23;
	s23 =	simm.s32 $0x0  }
.LBB2_1:
0x1b: {  	[dreg:$0x14] =	wrdreg s14;
	s14 =	simm.s32 $0x0;
	s21 =	simm.s32 $0x240  }
.LBB2_2:
0x1c: {  	p0 =	sne.s32 s21, $0xB1C0;
	[tilespmem:s14+$0x5350] =	vst v0  }
0x1d: {  	[tilespmem:s14+$0x52D0] =	vst v0  }
0x1e: {  	[tilespmem:s14+$0x52E0] =	vst v0  }
0x1f: {  	[tilespmem:s14+$0x52F0] =	vst v0  }
.Ltmp0:
0x20: {  	[tilespmem:s14+$0x5300] =	vst v0;
	(pc) =	sbr.rel @p0 .LBB2_2-.Ltmp0, $4  }
0x21: {  	[tilespmem:s14+$0x5310] =	vst v0  }
0x22: {  	[tilespmem:s14+$0x5320] =	vst v0  }
0x23: {  	[tilespmem:s14+$0x5330] =	vst v0  }
0x24: {  	[tilespmem:s14+$0x5340] =	vst v0;
	s14 =	sshra.s32 s21, $0x2;
	s21 =	sadd.s32 $0x240, s21  }
0x25: {  	[tilespmem:s14+$0x5350] =	vst v0  }
0x26: {  	[tilespmem:s14+$0x52D0] =	vst v0  }
0x27: {  	[tilespmem:s14+$0x52E0] =	vst v0  }
0x28: {  	[tilespmem:s14+$0x52F0] =	vst v0  }
0x29: {  	[tilespmem:s14+$0x5300] =	vst v0  }
0x2a: {  	[tilespmem:s14+$0x5310] =	vst v0  }
0x2b: {  	[tilespmem:s14+$0x5320] =	vst v0  }
0x2c: {  	[tilespmem:s14+$0x5330] =	vst v0  }
0x2d: {  	[tilespmem:s14+$0x5340] =	vst v0  }
0x2e: {  	[spmem:s22] =	stream.linear.scatter [tilespmem:s30], [sflag:$0x6], $0x2D00, $0x38;
	[tilespmem:$0x1DF60] =	vst v63  }
0x2f: {  	_ =	swait.ge [sflag:s31], $0x2D00  }
0x30: {  	[sflag:s31] =	ssyncset.done $0x0  }
0x31: {  	s1 =	rddreg [dreg:$0x7];
	[sflag:s31] =	ssyncadd.s32 $0xFFFFD300  }
0x32: {  	[spmem:s1] =	stream.linear.scatter [tilespmem:s30], [sflag:$0x6], $0x2D00, $0x38;
	[tilespmem:$0x1DF60] =	vst v63  }
0x33: {  	_ =	swait.ge [sflag:s31], $0x2D00  }
0x34: {  	[sflag:s31] =	ssyncset.done $0x0  }
0x35: {  	s24 =	rddreg [dreg:$0x8];
	[sflag:s31] =	ssyncadd.s32 $0xFFFFD300  }
0x36: {  	[spmem:s24] =	stream.linear.scatter [tilespmem:s30], [sflag:$0x6], $0x2D00, $0x38;
	[tilespmem:$0x1DF60] =	vst v63  }
0x37: {  	_ =	swait.ge [sflag:s31], $0x2D00  }
0x38: {  	[sflag:s31] =	ssyncset.done $0x0  }
0x39: {  	s25 =	rddreg [dreg:$0x9];
	[sflag:s31] =	ssyncadd.s32 $0xFFFFD300  }
0x3a: {  	[spmem:s25] =	stream.linear.scatter [tilespmem:s30], [sflag:$0x6], $0x2D00, $0x38;
	[tilespmem:$0x1DF60] =	vst v63  }
0x3b: {  	_ =	swait.ge [sflag:s31], $0x2D00  }
0x3c: {  	[sflag:s31] =	ssyncset.done $0x0  }
0x3d: {  	s26 =	rddreg [dreg:$0xa];
	[sflag:s31] =	ssyncadd.s32 $0xFFFFD300  }
0x3e: {  	[spmem:s26] =	stream.linear.scatter [tilespmem:s30], [sflag:$0x6], $0x2D00, $0x38;
	[tilespmem:$0x1DF60] =	vst v63  }
0x3f: {  	_ =	swait.ge [sflag:s31], $0x2D00  }
0x40: {  	[sflag:s31] =	ssyncset.done $0x0  }
0x41: {  	s28 =	rddreg [dreg:$0x11];
	[sflag:s31] =	ssyncadd.s32 $0xFFFFD300  }
0x42: {  	[spmem:s28] =	stream.linear.scatter [tilespmem:s30], [sflag:$0x6], $0x2D00, $0x38;
	[tilespmem:$0x1DF60] =	vst v63  }
0x43: {  	_ =	swait.ge [sflag:s31], $0x2D00  }
0x44: {  	[sflag:s31] =	ssyncset.done $0x0  }
0x45: {  	s29 =	rddreg [dreg:$0x12];
	[sflag:s31] =	ssyncadd.s32 $0xFFFFD300  }
0x46: {  	[spmem:s29] =	stream.linear.scatter [tilespmem:s30], [sflag:$0x6], $0x2D00, $0x38;
	[tilespmem:$0x1DF60] =	vst v63  }
0x47: {  	_ =	swait.ge [sflag:s31], $0x2D00  }
0x48: {  	[sflag:s31] =	ssyncset.done $0x0  }
0x49: {  	s14 =	rddreg [dreg:$0x13];
	[sflag:s31] =	ssyncadd.s32 $0xFFFFD300  }
0x4a: {  	[spmem:s14] =	stream.linear.scatter [tilespmem:s30], [sflag:$0x6], $0x2490, $0x38;
	[tilespmem:$0x1DF60] =	vst v63  }
0x4b: {  	_ =	swait.ge [sflag:s31], $0x2490  }
0x4c: {  	[sflag:s31] =	ssyncset.done $0x0  }
0x4d: {  	[sflag:s31] =	ssyncadd.s32 $0xFFFFDB70  }
0x4e: {  	[bflag:$0x0] =	sbarrier.arrive $0xFFFF  }
0x4f: {  	s21 =	rddreg [dreg:$0xb]  }
0x50: {  	[tilespmem:s23], [sflag:$0x1] =	stream.linear.gather [hbm4b:s21+s23], $0x50, $0x38;
	[tilespmem:$0x1DF60] =	vst v63  }
0x51: {  	s24 =	simm.s32 $0xA0;
	s22 =	rddreg [dreg:$0xc]  }
0x52: {  	[tilespmem:s24], [sflag:$0x1] =	stream.linear.gather [hbm4b:s22+s23], $0x50, $0x38;
	[tilespmem:$0x1DF60] =	vst v63  }
0x53: {  	s26 =	simm.s32 $0x140;
	s25 =	rddreg [dreg:$0xd]  }
0x54: {  	[tilespmem:s26], [sflag:$0x1] =	stream.linear.gather [hbm4b:s25+s23], $0x50, $0x38;
	[tilespmem:$0x1DF60] =	vst v63  }
0x55: {  	s29 =	simm.s32 $0x2D0;
	s28 =	rddreg [dreg:$0xe];
	s24 =	simm.s32 $0x0  }
0x56: {  	[tilespmem:s29], [sflag:$0x1] =	stream.linear.gather [hbm4b:s28+s23], $0x2800, $0x38;
	[tilespmem:$0x1DF60] =	vst v63  }
.LBB2_4:
0x57: {  	s25 =	sadd.s32 $0x1, s24  }
0x58: {  	s14 =	smin.u32 s25, $0x7C  }
0x59: {  	s14 =	smul.u32 $0x50, s14;
	_ =	sdelay $0x1  }
0x5a: {  	s21 =	sand.u32 $0x1, s25;
	s14 =	sadd.s32 s15, s14  }
0x5b: {  	s26 =	smul.u32 $0x50, s21;
	s29 =	sadd.s32 $0x1, s21;
	s28 =	sshrl.u32 s14, $0x3  }
0x5c: {  	s21 =	smul.u32 $0xA000, s21;
	s14 =	sshll.u32 s14, $0x4;
	s22 =	sadd.s32 s2, s28  }
0x5d: {  	[tilespmem:s26], [sflag:s29] =	stream.linear.gather [hbm4b:s22+s23], $0x50, $0x38;
	[tilespmem:$0x1DF60] =	vst v63  }
0x5e: {  	s1 =	sadd.s32 s3, s28;
	s14 =	sand.u32 $0xFFFF00, s14;
	s22 =	sadd.s32 $0xA0, s26  }
0x5f: {  	[tilespmem:s22], [sflag:s29] =	stream.linear.gather [hbm4b:s1+s23], $0x50, $0x38;
	[tilespmem:$0x1DF60] =	vst v63  }
0x60: {  	s22 =	sadd.s32 $0x140, s26;
	s26 =	sadd.s32 s7, s28;
	s1 =	sshrl.u32 s21, $0x2  }
0x61: {  	[tilespmem:s22], [sflag:s29] =	stream.linear.gather [hbm4b:s26+s23], $0x50, $0x38;
	[tilespmem:$0x1DF60] =	vst v63  }
0x62: {  	s14 =	sadd.s32 s13, s14;
	s1 =	sor.u32 $0x2D0, s1;
	s22 =	sand.u32 $0x1, s24  }
0x63: {  	[tilespmem:s1], [sflag:s29] =	stream.linear.gather [hbm4b:s14+s23], $0x2800, $0x38;
	[tilespmem:$0x1DF60] =	vst v63  }
0x64: {  	s14 =	sadd.s32 $0x1, s22  }
0x65: {  	_ =	swait.ge [sflag:s14], $0x50  }
0x66: {  	[sflag:s14] =	ssyncset.done $0x0  }
0x67: {  	[sflag:s14] =	ssyncadd.s32 $0xFFFFFFB0  }
0x68: {  	_ =	swait.ge [sflag:s14], $0x50  }
0x69: {  	[sflag:s14] =	ssyncset.done $0x0  }
0x6a: {  	[sflag:s14] =	ssyncadd.s32 $0xFFFFFFB0  }
0x6b: {  	_ =	swait.ge [sflag:s14], $0x50  }
0x6c: {  	[sflag:s14] =	ssyncset.done $0x0  }
0x6d: {  	[sflag:s14] =	ssyncadd.s32 $0xFFFFFFB0  }
0x6e: {  	_ =	swait.ge [sflag:s14], $0x2800  }
0x6f: {  	s29 =	smul.u32 $0x50, s22;
	[sflag:s14] =	ssyncset.done $0x0  }
0x70: {  	[sflag:s14] =	ssyncadd.s32 $0xFFFFD800  }
0x71: {  	[tilespmem:s5], [sflag:$0x3] =	stream.indirect.gather [hbm4b:s8+s0], $0x1, s29, s0, $0xb8;
	[tilespmem:$0x1DF60] =	vst v63  }
0x72: {  	s22 =	smul.u32 $0xA000, s22;
	s26 =	sadd.s32 $0xA0, s29  }
0x73: {  	[tilespmem:s16], [sflag:$0x3] =	stream.indirect.gather [hbm4b:s9+s0], $0x1, s26, s0, $0xb8;
	[tilespmem:$0x1DF60] =	vst v63  }
0x74: {  	s1 =	sshrl.u32 s22, $0x2  }
0x75: {  	[tilespmem:s30], [sflag:$0x4] =	stream.indirect.gather [hbm4b:s12+s0], $0x90, s29, s0, $0xb8;
	[tilespmem:$0x1DF60] =	vst v63  }
0x76: {  	s28 =	sor.u32 $0x2D0, s1  }
0x77: {  	[tilespmem:s28], [sflag:$0x5] =	stream.indirect.gather.add.f32 [hbm:s10], $0x80, s29, s0, $0xb8;
	[tilespmem:$0x1DF60] =	vst v63  }
0x78: {  	_ = 	snop  }
0x79: {  	[tilespmem:s28], [sflag:$0x5] =	stream.indirect.gather.add.f32 [hbm:s11], $0x80, s26, s0, $0xb8;
	[tilespmem:$0x1DF60] =	vst v63  }
0x7a: {  	_ =	swait.ge [sflag:s17], $0x50  }
0x7b: {  	[sflag:s17] =	ssyncset.done $0x0  }
0x7c: {  	[sflag:s17] =	ssyncadd.s32 $0xFFFFFFB0  }
0x7d: {  	_ =	swait.ge [sflag:s17], $0x50  }
0x7e: {  	[sflag:s17] =	ssyncset.done $0x0  }
0x7f: {  	[sflag:s17] =	ssyncadd.s32 $0xFFFFFFB0  }
0x80: {  	v1 =	vld [tilespmem:s29+$0x140]  }
0x81: {  	v2 =	vld [tilespmem:$0x1E0];
	_ =	sdelay $0x1  }
0x82: {  	v3 =	vld [tilespmem:$0x230];
	_ =	sdelay $0x2  }
0x83: {  	v1 =	vadd.f32 v2, v1;
	_ =	sdelay $0x1  }
0x84: {  	v1 =	vadd.f32 v3, v1;
	_ =	sdelay $0x1  }
0x85: {  	v2 =	vmul.f32 $9.999999770e-03, v1  }
0x86: {  	vm0 =	vge.f32 v1, $0.0e+00  }
0x87: {  	v1 =	vsel vm0, v1, v2  }
0x88: {  	v1 =	vmul.f32 $1.442695020e+00, v1;
	_ =	sdelay $0x1  }
0x89: {  	(erf) = vpow2.f32 v1;
	_ =	sdelay $0x8  }
0x8a: {  	v1 =	vpop (erf)  }
0x8b: {  	v2 =	vld [tilespmem:$0x1F0];
	[tilespmem:$0x280] =	vst v1  }
0x8c: {  	v1 =	vld [tilespmem:s29+$0x150];
	_ =	sdelay $0x1  }
0x8d: {  	v3 =	vld [tilespmem:$0x240];
	_ =	sdelay $0x2  }
0x8e: {  	v1 =	vadd.f32 v2, v1;
	_ =	sdelay $0x1  }
0x8f: {  	v1 =	vadd.f32 v3, v1;
	_ =	sdelay $0x1  }
0x90: {  	v2 =	vmul.f32 $9.999999770e-03, v1  }
0x91: {  	vm12 =	vge.f32 v1, $0.0e+00  }
0x92: {  	v1 =	vsel vm12, v1, v2  }
0x93: {  	v1 =	vmul.f32 $1.442695020e+00, v1;
	_ =	sdelay $0x1  }
0x94: {  	(erf) = vpow2.f32 v1;
	_ =	sdelay $0x8  }
0x95: {  	v1 =	vpop (erf)  }
0x96: {  	v2 =	vld [tilespmem:$0x200];
	[tilespmem:$0x290] =	vst v1  }
0x97: {  	v1 =	vld [tilespmem:s29+$0x160];
	_ =	sdelay $0x1  }
0x98: {  	v3 =	vld [tilespmem:$0x250];
	_ =	sdelay $0x2  }
0x99: {  	v1 =	vadd.f32 v2, v1;
	_ =	sdelay $0x1  }
0x9a: {  	v1 =	vadd.f32 v3, v1;
	_ =	sdelay $0x1  }
0x9b: {  	v2 =	vmul.f32 $9.999999770e-03, v1  }
0x9c: {  	vm13 =	vge.f32 v1, $0.0e+00  }
0x9d: {  	v1 =	vsel vm13, v1, v2  }
0x9e: {  	v1 =	vmul.f32 $1.442695020e+00, v1;
	_ =	sdelay $0x1  }
0x9f: {  	(erf) = vpow2.f32 v1;
	_ =	sdelay $0x8  }
0xa0: {  	v1 =	vpop (erf)  }
0xa1: {  	v2 =	vld [tilespmem:$0x210];
	[tilespmem:$0x2A0] =	vst v1  }
0xa2: {  	v1 =	vld [tilespmem:s29+$0x170];
	_ =	sdelay $0x1  }
0xa3: {  	v3 =	vld [tilespmem:$0x260];
	_ =	sdelay $0x2  }
0xa4: {  	v1 =	vadd.f32 v2, v1;
	_ =	sdelay $0x1  }
0xa5: {  	v1 =	vadd.f32 v3, v1;
	_ =	sdelay $0x1  }
0xa6: {  	v2 =	vmul.f32 $9.999999770e-03, v1  }
0xa7: {  	vm14 =	vge.f32 v1, $0.0e+00  }
0xa8: {  	v1 =	vsel vm14, v1, v2  }
0xa9: {  	v1 =	vmul.f32 $1.442695020e+00, v1;
	_ =	sdelay $0x1  }
0xaa: {  	(erf) = vpow2.f32 v1;
	_ =	sdelay $0x8  }
0xab: {  	v1 =	vpop (erf)  }
0xac: {  	v2 =	vld [tilespmem:$0x220];
	[tilespmem:$0x2B0] =	vst v1  }
0xad: {  	v1 =	vld [tilespmem:s29+$0x180];
	_ =	sdelay $0x1  }
0xae: {  	v3 =	vld [tilespmem:$0x270];
	_ =	sdelay $0x2  }
0xaf: {  	v1 =	vadd.f32 v2, v1;
	_ =	sdelay $0x1  }
0xb0: {  	v1 =	vadd.f32 v3, v1;
	_ =	sdelay $0x1  }
0xb1: {  	v2 =	vmul.f32 $9.999999770e-03, v1  }
0xb2: {  	vm15 =	vge.f32 v1, $0.0e+00  }
0xb3: {  	v1 =	vsel vm15, v1, v2  }
0xb4: {  	v1 =	vmul.f32 $1.442695020e+00, v1;
	_ =	sdelay $0x1  }
0xb5: {  	(erf) = vpow2.f32 v1;
	_ =	sdelay $0x8  }
0xb6: {  	v1 =	vpop (erf)  }
0xb7: {  	[tilespmem:$0x2C0] =	vst v1  }
0xb8: {  	_ =	swait.ge [sflag:s18], $0x2D00  }
0xb9: {  	[sflag:s18] =	ssyncset.done $0x0  }
0xba: {  	s29 =	simm.s32 $0x5310;
	v1 =	vmov s23;
	[sflag:s18] =	ssyncadd.s32 $0xFFFFD300  }
0xbb: {  	v6 =	vld [tilespmem:s29+$0xFFFFFFC0]  }
0xbc: {  	v9 =	vld [tilespmem:s29+$0x30]  }
0xbd: {  	v7 =	vld [tilespmem:s29+$0x40]  }
0xbe: {  	v11 =	vld [tilespmem:s29+$0xFFFFFFE0]  }
0xbf: {  	v2 =	vld.idx.msk [tilespmem:v1+s19+$0x0], $0xffff  }
0xc0: {  	v3 =	vld [tilespmem:s29+$0x20]  }
0xc1: {  	v4 =	vld [tilespmem:s29+$0xFFFFFFD0]  }
0xc2: {  	v5 =	vld [tilespmem:s29+$0x10]  }
0xc3: {  	v1 =	vld [tilespmem:s29+$0xFFFFFFF0]  }
0xc4: {  	v10 =	vmul.f32 v6, v2;
	v8 =	vmul.f32 v7, v2;
	v6 =	vld [tilespmem:s29+$0x0]  }
0xc5: {  	s21 =	simm.s32 $0x5310;
	s14 =	simm.s32 $0x1;
	v7 =	vmul.f32 v11, v2;
	v9 =	vmul.f32 v9, v2  }
.LBB2_5:
0xc6: {  	p0 =	sne.s32 s14, $0x4F  }
0xc7: {  	[tilespmem:s29+$0xFFFFFFC0] =	vst v10;
	v4 =	vmul.f32 v4, v2;
	v3 =	vmul.f32 v3, v2;
	s21 =	sadd.s32 $0x90, s21;
	s1 =	smov.u32 s14;
	s14 =	sadd.s32 $0x1, s14  }
0xc8: {  	v10 =	vmul.f32 v1, v2;
	v1 =	vmul.f32 v5, v2;
	[tilespmem:s29+$0x40] =	vst v8  }
0xc9: {  	v2 =	vmul.f32 v6, v2;
	[tilespmem:s29+$0x30] =	vst v9  }
0xca: {  	[tilespmem:s29+$0xFFFFFFE0] =	vst v7  }
0xcb: {  	v5 =	vmov s1;
	[tilespmem:s29+$0x10] =	vst v1  }
0xcc: {  	v1 =	vld [tilespmem:s21+$0xFFFFFFF0];
	[tilespmem:s29+$0x0] =	vst v2  }
0xcd: {  	v7 =	vld [tilespmem:s21+$0xFFFFFFC0];
	[tilespmem:s29+$0xFFFFFFF0] =	vst v10  }
0xce: {  	v9 =	vld [tilespmem:s21+$0x30];
	[tilespmem:s29+$0x20] =	vst v3  }
0xcf: {  	v8 =	vld [tilespmem:s21+$0x40];
	[tilespmem:s29+$0xFFFFFFD0] =	vst v4;
	s29 =	smov.u32 s21  }
0xd0: {  	v2 =	vld.idx.msk [tilespmem:v5+s19+$0x0], $0xffff  }
0xd1: {  	v11 =	vld [tilespmem:s21+$0xFFFFFFE0]  }
0xd2: {  	v3 =	vld [tilespmem:s21+$0x20]  }
.Ltmp1:
0xd3: {  	v4 =	vld [tilespmem:s21+$0xFFFFFFD0];
	(pc) =	sbr.rel @p0 .LBB2_5-.Ltmp1, $4  }
0xd4: {  	v5 =	vld [tilespmem:s21+$0x10]  }
0xd5: {  	v6 =	vld [tilespmem:s21+$0x0]  }
0xd6: {  	v10 =	vmul.f32 v7, v2;
	v8 =	vmul.f32 v8, v2  }
0xd7: {  	v9 =	vmul.f32 v9, v2;
	v7 =	vmul.f32 v11, v2  }
0xd8: {  	[tilespmem:s29+$0xFFFFFFC0] =	vst v10  }
0xd9: {  	[tilespmem:s29+$0x40] =	vst v8  }
0xda: {  	v1 =	vmul.f32 v1, v2;
	[tilespmem:s29+$0x30] =	vst v9  }
0xdb: {  	v3 =	vmul.f32 v3, v2;
	[tilespmem:s29+$0xFFFFFFE0] =	vst v7  }
0xdc: {  	v5 =	vmul.f32 v5, v2;
	[tilespmem:s29+$0xFFFFFFF0] =	vst v1  }
0xdd: {  	v6 =	vmul.f32 v6, v2;
	[tilespmem:s29+$0x20] =	vst v3  }
0xde: {  	v2 =	vmul.f32 v4, v2;
	[tilespmem:s29+$0x10] =	vst v5  }
0xdf: {  	[tilespmem:s29+$0x0] =	vst v6  }
0xe0: {  	[tilespmem:s29+$0xFFFFFFD0] =	vst v2  }
0xe1: {  	_ =	swait.ge [sflag:s20], $0x2800  }
0xe2: {  	[sflag:s20] =	ssyncset.done $0x0  }
0xe3: {  	[sflag:s20] =	ssyncadd.s32 $0xFFFFD800  }
0xe4: {  	s1 =	smul.u32 $0x50, s24;
	_ =	swait.ge [sflag:s20], $0x2800  }
0xe5: {  	[sflag:s20] =	ssyncset.done $0x0  }
0xe6: {  	s1 =	sadd.s32 s15, s1;
	[sflag:s20] =	ssyncadd.s32 $0xFFFFD800  }
0xe7: {  	s1 =	sshll.u32 s1, $0x4;
	s14 =	rddreg [dreg:$0x3]  }
0xe8: {  	s1 =	sadd.s32 s14, s1  }
0xe9: {  	[hbm4b:s1+s6] =	stream.linear.scatter [tilespmem:s28], [sflag:$0x5], $0x2800, $0x38;
	[tilespmem:$0x1DF60] =	vst v63  }
0xea: {  	_ = 	snop  }
0xeb: {  	[spmem:s4] =	stream.indirect.scatter.add.f32 [tilespmem:s30], [sflag:$0x6], $0x90, s26, s0, $0xb8;
	[tilespmem:$0x1DF60] =	vst v63  }
0xec: {  	p0 =	sne.s32 s25, $0x7D;
	_ =	swait.ge [sflag:s31], $0x2D00  }
.Ltmp2:
0xed: {  	[sflag:s31] =	ssyncset.done $0x0;
	(pc) =	sbr.rel @p0 .LBB2_4-.Ltmp2, $4  }
0xee: {  	[sflag:s31] =	ssyncadd.s32 $0xFFFFD300  }
0xef: {  	_ =	swait.ge [sflag:s20], $0x2800  }
0xf0: {  	[sflag:s20] =	ssyncset.done $0x0  }
0xf1: {  	s24 =	smov.u32 s25;
	[sflag:s20] =	ssyncadd.s32 $0xFFFFD800  }
0xf2: {  	s1 =	simm.s32 $0x2  }
0xf3: {  	_ =	swait.ge [sflag:s1], $0x50  }
0xf4: {  	[sflag:s1] =	ssyncset.done $0x0  }
0xf5: {  	[sflag:s1] =	ssyncadd.s32 $0xFFFFFFB0  }
0xf6: {  	_ =	swait.ge [sflag:s1], $0x50  }
0xf7: {  	[sflag:s1] =	ssyncset.done $0x0  }
0xf8: {  	[sflag:s1] =	ssyncadd.s32 $0xFFFFFFB0  }
0xf9: {  	_ =	swait.ge [sflag:s1], $0x50  }
0xfa: {  	[sflag:s1] =	ssyncset.done $0x0  }
0xfb: {  	[sflag:s1] =	ssyncadd.s32 $0xFFFFFFB0  }
0xfc: {  	_ =	swait.ge [sflag:s1], $0x2800  }
0xfd: {  	[sflag:s1] =	ssyncset.done $0x0  }
0xfe: {  	[sflag:s1] =	ssyncadd.s32 $0xFFFFD800  }
0xff: {  	s26 =	stileid.u32;
	[bflag:$0x0] =	sbarrier.arrive $0xFFFF  }
0x100: {  	s1 =	sshll.u32 s26, $0x6;
	s22 =	rddreg [dreg:$0x6]  }
0x101: {  	s1 =	sor.u32 $0x1C06, s1;
	s21 =	rddreg [dreg:$0xf];
	s14 =	sshrl.u32 s22, $0x3  }
0x102: {  	[hbm:s21], [sflag:s1] =	dma.local [spmem:s14], $0x2BF2  }
0x103: {  	_ =	swait.ge [sflag:s31], $0x2BF2  }
0x104: {  	s28 =	rddreg [dreg:$0x14]  }
0x105: {  	s29 =	rddreg [dreg:$0x10];
	s14 =	sadd.s32 $0x1, s28  }
0x106: {  	p0 =	sne.s32 s14, s29  }
.Ltmp3:
0x107: {  	_ = 	snop;
	(pc) =	sbr.rel @p0 .LBB2_1-.Ltmp3, $3  }
0x108: {  	_ =	sdelay $0x1  }
0x109: {  	[sflag:s31] =	ssyncset.done $0x0  }
0x10a: {  	[sflag:s31] =	ssyncadd.s32 $0xFFFFD40E  }
0x10b: {  	_ =	sfence.sel $0x180000  }
0x10c: {  	[bflag:$0x0] =	sbarrier.arrive $0xFFFF  }
0x10d: {  	_ =	strace $0x90000047  }
0x10e: {  	s0 =	stileid.u32;
	[bflag:$0x2] =	sbarrier.arrive $0xFFFF  }
0x10f: {  	p0 =	sne.s32 s0, $0x0;
	s0 =	rddreg [dreg:$0x5]  }
0x110: {  	s0 =	sadd.s32 @!p0 $0x100000, s0  }
0x111: {  	[sflag:s0] =	ssyncadd.tile.s32 @!p0 $0x1;
	_ =	shalt  }
.Lfunc_end2:
_tile_overlayer_lowered:
.L_overlay_start_2:
0x112: {  	(tag) =	ssettag $0x2  }
0x113: {  	s0 =	rddreg [dreg:$0x0];
	s2 =	stileid.u32  }
0x114: {  	s1 =	rddreg [dreg:$0x1];
	p0 =	sne.s32 s2, $0x0  }
0x115: {  	s3 =	rddreg [dreg:$0x2];
	[bflag:$0x3] =	sbarrier.arrive $0xFFFF;
	s2 =	simm.s32 @!p0 $0x1C06  }
0x116: {  	[timem:s3], [sflag:s2] =	dma.local @!p0 [hbm:s0], s1  }
0x117: {  	s0 =	simm.s32 @!p0 $0x6  }
0x118: {  	_ =	swait.ge @!p0 [sflag:s0], s1  }
0x119: {  	s1 =	ssub.s32 @!p0 $0x0, s1;
	[sflag:s0] =	ssyncset.done @!p0 $0x0  }
0x11a: {  	[sflag:s0] =	ssyncadd.s32 @!p0 s1  }
0x11b: {  	[bflag:$0x3] =	sbarrier.arrive $0xFFFF  }
0x11c: {  	_ =	shalt  }

</sc_bundles>
